<compile_context>
chip_gen: v7x
topology: tpu7x:2x2x1
jax: 0.10.2.dev20260603
libtpu: 0.0.44.dev20260713+nightly
codegen_flags: <defaults>
</compile_context>

<pallas_src>
import functools

import jax
import jax.numpy as jnp
from jax import lax
from jax.experimental import pallas as pl
from jax.experimental.pallas import tpu as pltpu
from jax.experimental.pallas import tpu_sc as plsc

S, N, E = 4, 10000, 320000
DIM_C, DIM_H, HID = 64, 64, 20
DIM_Z = DIM_C + DIM_H
ROW = S * HID

NC, NS = 2, 16
NT = NC * NS
CH = 128
EPT = 10240
EP = NT * EPT
CPT = EPT // CH
N_ACC = 10112
RPT = N_ACC // NS


def _celu(x):
    return jnp.where(x > 0, x, jnp.exp(jnp.minimum(x, 0.0)) - 1.0)


def _softplus(x):
    return jnp.maximum(x, 0.0) + jnp.log(1.0 + jnp.exp(-jnp.abs(x)))


def _vnbr_body(z_ref, wt_ref, b_ref, out_ref):
    w = wt_ref[...]
    b = b_ref[...]
    pieces = []
    for s in range(S):
        x = z_ref[s]
        v = _celu(jnp.dot(x, w, preferred_element_type=jnp.float32) + b)
        pieces.append(v)
    out_ref[...] = jnp.concatenate(pieces, axis=-1)


def _compute_vnbr(z, wnbr_t, b_nbr):
    bn = 1000
    return pl.pallas_call(
        _vnbr_body,
        grid=(N // bn,),
        in_specs=[
            pl.BlockSpec((S, bn, DIM_Z), lambda i: (0, i, 0)),
            pl.BlockSpec((DIM_Z, HID), lambda i: (0, 0)),
            pl.BlockSpec((1, HID), lambda i: (0, 0)),
        ],
        out_specs=pl.BlockSpec((bn, ROW), lambda i: (i, 0)),
        out_shape=jax.ShapeDtypeStruct((N, ROW), jnp.float32),
    )(z, wnbr_t, b_nbr)


def _sc_agg_body(vnbr_hbm, src_hbm, dst_hbm, zrow_hbm, out_hbm,
                 src_v, dst_v, rows_v, acc, sem):
    cid = lax.axis_index("c")
    sid = lax.axis_index("s")
    tid = cid * NS + sid

    pltpu.sync_copy(zrow_hbm, acc.at[pl.ds(sid * RPT, RPT)])
    plsc.subcore_barrier()

    def chunk(g, _):
        row = tid * CPT + g
        pltpu.sync_copy(src_hbm.at[row], src_v)
        pltpu.sync_copy(dst_hbm.at[row], dst_v)
        pltpu.async_copy(vnbr_hbm.at[src_v], rows_v, sem).wait()
        pltpu.sync_copy(rows_v, acc.at[dst_v], add=True)
        return ()

    lax.fori_loop(0, CPT, chunk, (), unroll=False)

    plsc.subcore_barrier()
    pltpu.sync_copy(acc.at[pl.ds(sid * RPT, RPT)],
                    out_hbm.at[cid, pl.ds(sid * RPT, RPT)])


def _sc_aggregate(vnbr_flat, srcp, dstp, zrow):
    mesh = plsc.VectorSubcoreMesh(core_axis_name="c", subcore_axis_name="s")
    fn = functools.partial(
        pl.kernel, mesh=mesh,
        compiler_params=pltpu.CompilerParams(use_tc_tiling_on_sc=False),
        out_type=jax.ShapeDtypeStruct((NC, N_ACC, ROW), jnp.float32),
        scratch_types=[
            pltpu.VMEM((CH,), jnp.int32),
            pltpu.VMEM((CH,), jnp.int32),
            pltpu.VMEM((CH, ROW), jnp.float32),
            pltpu.VMEM_SHARED((N_ACC, ROW), jnp.float32),
            pltpu.SemaphoreType.DMA,
        ],
    )(_sc_agg_body)
    return fn(vnbr_flat, srcp, dstp, zrow)


def _finish_body(z_ref, agg_ref, wcur_ref, bcur_ref, wo1_ref, wo2_ref,
                 bout_ref, wg_ref, bg_ref, out_ref):
    wcur = wcur_ref[...]
    bcur = bcur_ref[...]
    wo1 = wo1_ref[...]
    wo2 = wo2_ref[...]
    bout = bout_ref[...]
    wg = wg_ref[...]
    bg = bg_ref[...]
    for s in range(S):
        x = z_ref[s]
        c = x[:, :DIM_C]
        h = x[:, DIM_C:]
        vcur = _celu(jnp.dot(x, wcur, preferred_element_type=jnp.float32)
                     + bcur)
        a = (agg_ref[0, :, s * HID:(s + 1) * HID]
             + agg_ref[1, :, s * HID:(s + 1) * HID])
        dc0 = (jnp.dot(vcur, wo1, preferred_element_type=jnp.float32)
               + jnp.dot(a, wo2, preferred_element_type=jnp.float32)
               + bout)
        num = jnp.sum(dc0 * c, axis=-1, keepdims=True)
        den = jnp.sum(c * c, axis=-1, keepdims=True)
        dc = dc0 - (num / den) * c
        gx = jnp.dot(c, wg, preferred_element_type=jnp.float32) + bg
        dh = -_softplus(gx) * h
        out_ref[s] = jnp.concatenate([dc, dh], axis=-1)


def _finish(z, agg2, wcur_t, b_cur, wo1_t, wo2_t, b_out, wg_t, b_g):
    bn = 1000
    return pl.pallas_call(
        _finish_body,
        grid=(N // bn,),
        in_specs=[
            pl.BlockSpec((S, bn, DIM_Z), lambda i: (0, i, 0)),
            pl.BlockSpec((2, bn, ROW), lambda i: (0, i, 0)),
            pl.BlockSpec((DIM_Z, HID), lambda i: (0, 0)),
            pl.BlockSpec((1, HID), lambda i: (0, 0)),
            pl.BlockSpec((HID, DIM_C), lambda i: (0, 0)),
            pl.BlockSpec((HID, DIM_C), lambda i: (0, 0)),
            pl.BlockSpec((1, DIM_C), lambda i: (0, 0)),
            pl.BlockSpec((DIM_C, DIM_H), lambda i: (0, 0)),
            pl.BlockSpec((1, DIM_H), lambda i: (0, 0)),
        ],
        out_specs=pl.BlockSpec((S, bn, DIM_Z), lambda i: (0, i, 0)),
        out_shape=jax.ShapeDtypeStruct((S, N, DIM_Z), jnp.float32),
    )(z, agg2, wcur_t, b_cur, wo1_t, wo2_t, b_out, wg_t, b_g)


def kernel(t, z, edge_index, W_cur, b_cur, W_nbr, b_nbr, W_out, b_out, W_g, b_g):
    del t
    vnbr_flat = _compute_vnbr(z, W_nbr.T, b_nbr.reshape(1, HID))

    src = jnp.concatenate(
        [edge_index[0], jnp.zeros((EP - E,), jnp.int32)]).reshape(EP // CH, CH)
    dst = jnp.concatenate(
        [edge_index[1], jnp.full((EP - E,), N, jnp.int32)]).reshape(EP // CH, CH)
    zrow = jnp.zeros((RPT, ROW), jnp.float32)

    agg_pair = _sc_aggregate(vnbr_flat, src, dst, zrow)
    agg2 = agg_pair[:, :N, :]

    return _finish(z, agg2, W_cur.T, b_cur.reshape(1, HID),
                   W_out[:, :HID].T, W_out[:, HID:].T, b_out.reshape(1, DIM_C),
                   W_g.T, b_g.reshape(1, DIM_H))

# --- scband reference (transcript-rebuilt; emitter-appended) ---
"""Pipeline reference for scband-odejump-func-14886356648699 (READ-ONLY COPY).

The authoritative reference and input builder live on the scoring server;
editing this copy changes nothing except your own understanding.
"""

import jax, jax.numpy as jnp
import numpy as np

S, N, E = 4, 10000, 320000
DIM_C, DIM_H, HID = 64, 64, 20
DIM_Z = DIM_C + DIM_H


def setup_inputs(seed: int = 0) -> dict:
    key = jax.random.key(seed)
    ks = jax.random.split(key, 10)
    z = jax.random.normal(ks[0], (S, N, DIM_Z), dtype=jnp.float32)
    edge_index = jax.random.randint(ks[1], (2, E), 0, N, dtype=jnp.int32)
    t = jnp.zeros((), dtype=jnp.float32)
    # GCU (self.F) parameters: cur/nbr MLPs (num_hidden=0 -> single Linear) + out Linear
    W_cur = 0.1 * jax.random.normal(ks[2], (HID, DIM_Z), dtype=jnp.float32)
    b_cur = 0.1 * jax.random.normal(ks[3], (HID,), dtype=jnp.float32)
    W_nbr = 0.1 * jax.random.normal(ks[4], (HID, DIM_Z), dtype=jnp.float32)
    b_nbr = 0.1 * jax.random.normal(ks[5], (HID,), dtype=jnp.float32)
    W_out = 0.1 * jax.random.normal(ks[6], (DIM_C, 2 * HID), dtype=jnp.float32)
    b_out = 0.1 * jax.random.normal(ks[7], (DIM_C,), dtype=jnp.float32)
    # self.G = Sequential(MLP(dim_c, dim_h), Softplus()); num_hidden=0 -> single Linear
    W_g = 0.1 * jax.random.normal(ks[8], (DIM_H, DIM_C), dtype=jnp.float32)
    b_g = 0.1 * jax.random.normal(ks[9], (DIM_H,), dtype=jnp.float32)
    return {"t": t, "z": z, "edge_index": edge_index,
            "W_cur": W_cur, "b_cur": b_cur, "W_nbr": W_nbr, "b_nbr": b_nbr,
            "W_out": W_out, "b_out": b_out, "W_g": W_g, "b_g": b_g}


def reference(t, z, edge_index, W_cur, b_cur, W_nbr, b_nbr, W_out, b_out, W_g, b_g):
    # z: [S, N, dim_c + dim_h]
    c = z[:, :, :DIM_C]
    h = z[:, :, DIM_C:]
    # GCU applied per node with neighbor aggregation; the per-node python loop over
    # graph.neighbors(nid) is equivalent to an edge-list gather + scatter-add.
    vcur = jax.nn.celu(jnp.einsum('snd,hd->snh', z, W_cur) + b_cur)   # Sequential(MLP, CELU)
    vnbr = jax.nn.celu(jnp.einsum('snd,hd->snh', z, W_nbr) + b_nbr)
    src = edge_index[0]
    dst = edge_index[1]
    msgs = jnp.take(vnbr, src, axis=1)                                # [S, E, HID] gather
    agg = jnp.zeros((z.shape[0], z.shape[1], vnbr.shape[-1]), dtype=vnbr.dtype)
    agg = agg.at[:, dst, :].add(msgs)                                 # scatter-add sum aggregation
    dc = jnp.einsum('snh,ch->snc', jnp.concatenate([vcur, agg], axis=-1), W_out) + b_out
    # project dc onto the tangent space orthogonal to c (norm-preserving correction)
    dc = dc - (dc * c).sum(axis=2, keepdims=True) / (c * c).sum(axis=2, keepdims=True) * c
    # dh = -G(c) * h with G = Softplus(Linear(c))
    dh = -jax.nn.softplus(jnp.einsum('snc,hc->snh', c, W_g) + b_g) * h
    return jnp.concatenate((dc, dh), axis=2)

if __name__ == "__main__":
    import jax
    _d = setup_inputs()
    print(jax.jit(kernel)(*tuple(_d.values())))

</pallas_src>

<mosaic_0001>
#map = affine_map<(d0, d1) -> (0, 0)>
#map1 = affine_map<(d0, d1) -> (0, 0, 0)>
module attributes {stable_mosaic.version = 14 : i64} {
  func.func @_sc_agg_body(%arg0: i32, %arg1: i32, %arg2: memref<10000x80xf32, #tpu.memory_space<hbm>>, %arg3: memref<2560x128xi32, #tpu.memory_space<hbm>>, %arg4: memref<2560x128xi32, #tpu.memory_space<hbm>>, %arg5: memref<632x80xf32, #tpu.memory_space<hbm>>, %arg6: memref<2x10112x80xf32, #tpu.memory_space<hbm>>, %arg7: memref<128xi32, #tpu.memory_space<vmem>>, %arg8: memref<128xi32, #tpu.memory_space<vmem>>, %arg9: memref<128x80xf32, #tpu.memory_space<vmem>>, %arg10: memref<10112x80xf32, #tpu.memory_space<vmem_shared>>, %arg11: memref<!tpu.dma_semaphore, #tpu.memory_space<semaphore_mem>>) attributes {dimension_semantics = [#tpu.dimension_semantics<core_parallel>, #tpu.dimension_semantics<subcore_parallel>], iteration_bounds = array<i64: 2, 16>, scalar_prefetch = 0 : i64, scratch_operands = 5 : i64, tpu.core_type = #tpu.core_type<sc_vector_subcore>, window_params = [{transform_indices = #map}, {transform_indices = #map}, {transform_indices = #map}, {transform_indices = #map}, {transform_indices = #map1}]} {
    %mul3A = arith.constant 16 : i32
    %mul3A_0 = arith.muli %arg0, %mul3A : i32
    %add3A = arith.addi %mul3A_0, %arg1 : i32
    %mul3A_1 = arith.constant 632 : i32
    %mul3A_2 = arith.muli %arg1, %mul3A_1 : i32
    "tpu.region"() ({
      %run_scoped3A = tpu.sem_alloc : memref<!tpu.dma_semaphore, #tpu.memory_space<semaphore_mem>>
      %dma_start3A = arith.constant 0 : i32
      %dma_start3A_12 = tpu.memref_slice %arg10[%mul3A_2, %dma_start3A] : memref<10112x80xf32, #tpu.memory_space<vmem_shared>> -> memref<632x80xf32, #tpu.memory_space<vmem_shared>>
      tpu.enqueue_dma source(%arg5 : memref<632x80xf32, #tpu.memory_space<hbm>>) target(%dma_start3A_12 : memref<632x80xf32, #tpu.memory_space<vmem_shared>>) target_semaphore(%run_scoped3A : memref<!tpu.dma_semaphore, #tpu.memory_space<semaphore_mem>>)
      %dma_wait3A = arith.constant 0 : i32
      %dma_wait3A_13 = tpu.memref_slice %arg10[%mul3A_2, %dma_wait3A] : memref<10112x80xf32, #tpu.memory_space<vmem_shared>> -> memref<632x80xf32, #tpu.memory_space<vmem_shared>>
      tpu.wait_dma2 semaphore(%run_scoped3A : memref<!tpu.dma_semaphore, #tpu.memory_space<semaphore_mem>>) src(%arg5 : memref<632x80xf32, #tpu.memory_space<hbm>>) dst(%dma_wait3A_13 : memref<632x80xf32, #tpu.memory_space<vmem_shared>>)
      tpu.yield
    }) : () -> ()
    %barrier3A = arith.constant 0 : index
    tpu.barrier barrier_id(%barrier3A)
    %scan3A = arith.constant 0 : i32
    %scan3A_3 = arith.constant 80 : i32
    %scan3A_4 = arith.addi %scan3A, %scan3A_3 : i32
    %scan3A_5 = arith.constant 1 : i32
    scf.for %scan3A_12 = %scan3A to %scan3A_4 step %scan3A_5  : i32 {
      %mul3A_13 = arith.constant 80 : i32
      %mul3A_14 = arith.muli %add3A, %mul3A_13 : i32
      %add3A_15 = arith.addi %mul3A_14, %scan3A_12 : i32
      "tpu.region"() ({
        %run_scoped3A = tpu.sem_alloc : memref<!tpu.dma_semaphore, #tpu.memory_space<semaphore_mem>>
        %dma_start3A_20 = arith.constant 0 : i32
        %dma_start3A_21 = tpu.memref_slice %arg3[%add3A_15, %dma_start3A_20] : memref<2560x128xi32, #tpu.memory_space<hbm>> -> memref<1x128xi32, #tpu.memory_space<hbm>>
        %dma_start3A_22 = tpu.memref_squeeze %dma_start3A_21 : memref<1x128xi32, #tpu.memory_space<hbm>> -> memref<128xi32, #tpu.memory_space<hbm>>
        %dma_start3A_23 = arith.constant 0 : i32
        %dma_start3A_24 = tpu.memref_slice %arg3[%add3A_15, %dma_start3A_23] : memref<2560x128xi32, #tpu.memory_space<hbm>> -> memref<1x128xi32, #tpu.memory_space<hbm>>
        %dma_start3A_25 = tpu.memref_squeeze %dma_start3A_24 : memref<1x128xi32, #tpu.memory_space<hbm>> -> memref<128xi32, #tpu.memory_space<hbm>>
        tpu.enqueue_dma source(%dma_start3A_25 : memref<128xi32, #tpu.memory_space<hbm>>) target(%arg7 : memref<128xi32, #tpu.memory_space<vmem>>) target_semaphore(%run_scoped3A : memref<!tpu.dma_semaphore, #tpu.memory_space<semaphore_mem>>)
        %dma_wait3A_26 = arith.constant 0 : i32
        %dma_wait3A_27 = tpu.memref_slice %arg3[%add3A_15, %dma_wait3A_26] : memref<2560x128xi32, #tpu.memory_space<hbm>> -> memref<1x128xi32, #tpu.memory_space<hbm>>
        %dma_wait3A_28 = tpu.memref_squeeze %dma_wait3A_27 : memref<1x128xi32, #tpu.memory_space<hbm>> -> memref<128xi32, #tpu.memory_space<hbm>>
        %dma_wait3A_29 = arith.constant 0 : i32
        %dma_wait3A_30 = tpu.memref_slice %arg3[%add3A_15, %dma_wait3A_29] : memref<2560x128xi32, #tpu.memory_space<hbm>> -> memref<1x128xi32, #tpu.memory_space<hbm>>
        %dma_wait3A_31 = tpu.memref_squeeze %dma_wait3A_30 : memref<1x128xi32, #tpu.memory_space<hbm>> -> memref<128xi32, #tpu.memory_space<hbm>>
        tpu.wait_dma2 semaphore(%run_scoped3A : memref<!tpu.dma_semaphore, #tpu.memory_space<semaphore_mem>>) src(%dma_wait3A_31 : memref<128xi32, #tpu.memory_space<hbm>>) dst(%arg7 : memref<128xi32, #tpu.memory_space<vmem>>)
        tpu.yield
      }) : () -> ()
      "tpu.region"() ({
        %run_scoped3A = tpu.sem_alloc : memref<!tpu.dma_semaphore, #tpu.memory_space<semaphore_mem>>
        %dma_start3A_20 = arith.constant 0 : i32
        %dma_start3A_21 = tpu.memref_slice %arg4[%add3A_15, %dma_start3A_20] : memref<2560x128xi32, #tpu.memory_space<hbm>> -> memref<1x128xi32, #tpu.memory_space<hbm>>
        %dma_start3A_22 = tpu.memref_squeeze %dma_start3A_21 : memref<1x128xi32, #tpu.memory_space<hbm>> -> memref<128xi32, #tpu.memory_space<hbm>>
        %dma_start3A_23 = arith.constant 0 : i32
        %dma_start3A_24 = tpu.memref_slice %arg4[%add3A_15, %dma_start3A_23] : memref<2560x128xi32, #tpu.memory_space<hbm>> -> memref<1x128xi32, #tpu.memory_space<hbm>>
        %dma_start3A_25 = tpu.memref_squeeze %dma_start3A_24 : memref<1x128xi32, #tpu.memory_space<hbm>> -> memref<128xi32, #tpu.memory_space<hbm>>
        tpu.enqueue_dma source(%dma_start3A_25 : memref<128xi32, #tpu.memory_space<hbm>>) target(%arg8 : memref<128xi32, #tpu.memory_space<vmem>>) target_semaphore(%run_scoped3A : memref<!tpu.dma_semaphore, #tpu.memory_space<semaphore_mem>>)
        %dma_wait3A_26 = arith.constant 0 : i32
        %dma_wait3A_27 = tpu.memref_slice %arg4[%add3A_15, %dma_wait3A_26] : memref<2560x128xi32, #tpu.memory_space<hbm>> -> memref<1x128xi32, #tpu.memory_space<hbm>>
        %dma_wait3A_28 = tpu.memref_squeeze %dma_wait3A_27 : memref<1x128xi32, #tpu.memory_space<hbm>> -> memref<128xi32, #tpu.memory_space<hbm>>
        %dma_wait3A_29 = arith.constant 0 : i32
        %dma_wait3A_30 = tpu.memref_slice %arg4[%add3A_15, %dma_wait3A_29] : memref<2560x128xi32, #tpu.memory_space<hbm>> -> memref<1x128xi32, #tpu.memory_space<hbm>>
        %dma_wait3A_31 = tpu.memref_squeeze %dma_wait3A_30 : memref<1x128xi32, #tpu.memory_space<hbm>> -> memref<128xi32, #tpu.memory_space<hbm>>
        tpu.wait_dma2 semaphore(%run_scoped3A : memref<!tpu.dma_semaphore, #tpu.memory_space<semaphore_mem>>) src(%dma_wait3A_31 : memref<128xi32, #tpu.memory_space<hbm>>) dst(%arg8 : memref<128xi32, #tpu.memory_space<vmem>>)
        tpu.yield
      }) : () -> ()
      %dma_start3A = arith.constant 0 : i32
      %dma_start3A_16 = arith.constant 0 : i32
      %dma_start3A_17 = tpu.memref_slice %arg2[%dma_start3A, %dma_start3A_16] : memref<10000x80xf32, #tpu.memory_space<hbm>> -> memref<10000x80xf32, #tpu.memory_space<hbm>>
      tpu.enqueue_indirect_dma source(%dma_start3A_17 : memref<10000x80xf32, #tpu.memory_space<hbm>>) target(%arg9 : memref<128x80xf32, #tpu.memory_space<vmem>>) offsets(%arg7 : memref<128xi32, #tpu.memory_space<vmem>>) semaphore(%arg11 : memref<!tpu.dma_semaphore, #tpu.memory_space<semaphore_mem>>)
      %dma_wait3A = arith.constant 0 : i32
      %dma_wait3A_18 = arith.constant 0 : i32
      %dma_wait3A_19 = tpu.memref_slice %arg2[%dma_wait3A, %dma_wait3A_18] : memref<10000x80xf32, #tpu.memory_space<hbm>> -> memref<10000x80xf32, #tpu.memory_space<hbm>>
      tpu.wait_indirect_dma semaphore(%arg11 : memref<!tpu.dma_semaphore, #tpu.memory_space<semaphore_mem>>) src(%dma_wait3A_19 : memref<10000x80xf32, #tpu.memory_space<hbm>>) dst(%arg9 : memref<128x80xf32, #tpu.memory_space<vmem>>)
      "tpu.region"() ({
        %run_scoped3A = tpu.sem_alloc : memref<!tpu.dma_semaphore, #tpu.memory_space<semaphore_mem>>
        %dma_start3A_20 = arith.constant 0 : i32
        %dma_start3A_21 = arith.constant 0 : i32
        %dma_start3A_22 = tpu.memref_slice %arg10[%dma_start3A_20, %dma_start3A_21] : memref<10112x80xf32, #tpu.memory_space<vmem_shared>> -> memref<10112x80xf32, #tpu.memory_space<vmem_shared>>
        tpu.enqueue_indirect_dma source(%arg9 : memref<128x80xf32, #tpu.memory_space<vmem>>) target(%dma_start3A_22 : memref<10112x80xf32, #tpu.memory_space<vmem_shared>>) offsets(%arg8 : memref<128xi32, #tpu.memory_space<vmem>>) semaphore(%run_scoped3A : memref<!tpu.dma_semaphore, #tpu.memory_space<semaphore_mem>>) {add = true}
        %dma_wait3A_23 = arith.constant 0 : i32
        %dma_wait3A_24 = arith.constant 0 : i32
        %dma_wait3A_25 = tpu.memref_slice %arg10[%dma_wait3A_23, %dma_wait3A_24] : memref<10112x80xf32, #tpu.memory_space<vmem_shared>> -> memref<10112x80xf32, #tpu.memory_space<vmem_shared>>
        tpu.wait_indirect_dma semaphore(%run_scoped3A : memref<!tpu.dma_semaphore, #tpu.memory_space<semaphore_mem>>) src(%arg9 : memref<128x80xf32, #tpu.memory_space<vmem>>) dst(%dma_wait3A_25 : memref<10112x80xf32, #tpu.memory_space<vmem_shared>>)
        tpu.yield
      }) : () -> ()
    }
    %scan3A_6 = arith.constant 80 : i32
    %barrier3A_7 = arith.constant 0 : index
    tpu.barrier barrier_id(%barrier3A_7)
    %mul3A_8 = arith.constant 632 : i32
    %mul3A_9 = arith.muli %arg1, %mul3A_8 : i32
    %mul3A_10 = arith.constant 632 : i32
    %mul3A_11 = arith.muli %arg1, %mul3A_10 : i32
    "tpu.region"() ({
      %run_scoped3A = tpu.sem_alloc : memref<!tpu.dma_semaphore, #tpu.memory_space<semaphore_mem>>
      %dma_start3A = arith.constant 0 : i32
      %dma_start3A_12 = tpu.memref_slice %arg6[%arg0, %mul3A_11, %dma_start3A] : memref<2x10112x80xf32, #tpu.memory_space<hbm>> -> memref<1x632x80xf32, #tpu.memory_space<hbm>>
      %dma_start3A_13 = tpu.memref_squeeze %dma_start3A_12 : memref<1x632x80xf32, #tpu.memory_space<hbm>> -> memref<632x80xf32, #tpu.memory_space<hbm>>
      %dma_start3A_14 = arith.constant 0 : i32
      %dma_start3A_15 = tpu.memref_slice %arg10[%mul3A_9, %dma_start3A_14] : memref<10112x80xf32, #tpu.memory_space<vmem_shared>> -> memref<632x80xf32, #tpu.memory_space<vmem_shared>>
      tpu.enqueue_dma source(%dma_start3A_15 : memref<632x80xf32, #tpu.memory_space<vmem_shared>>) target(%dma_start3A_13 : memref<632x80xf32, #tpu.memory_space<hbm>>) target_semaphore(%run_scoped3A : memref<!tpu.dma_semaphore, #tpu.memory_space<semaphore_mem>>)
      %dma_wait3A = arith.constant 0 : i32
      %dma_wait3A_16 = tpu.memref_slice %arg6[%arg0, %mul3A_11, %dma_wait3A] : memref<2x10112x80xf32, #tpu.memory_space<hbm>> -> memref<1x632x80xf32, #tpu.memory_space<hbm>>
      %dma_wait3A_17 = tpu.memref_squeeze %dma_wait3A_16 : memref<1x632x80xf32, #tpu.memory_space<hbm>> -> memref<632x80xf32, #tpu.memory_space<hbm>>
      %dma_wait3A_18 = arith.constant 0 : i32
      %dma_wait3A_19 = tpu.memref_slice %arg10[%mul3A_9, %dma_wait3A_18] : memref<10112x80xf32, #tpu.memory_space<vmem_shared>> -> memref<632x80xf32, #tpu.memory_space<vmem_shared>>
      tpu.wait_dma2 semaphore(%run_scoped3A : memref<!tpu.dma_semaphore, #tpu.memory_space<semaphore_mem>>) src(%dma_wait3A_19 : memref<632x80xf32, #tpu.memory_space<vmem_shared>>) dst(%dma_wait3A_17 : memref<632x80xf32, #tpu.memory_space<hbm>>)
      tpu.yield
    }) : () -> ()
    return
  }
}

module attributes {stable_mosaic.version = 14 : i64} {
  func.func @_vnbr_body(%arg0: i32, %arg1: memref<4x1000x128xf32, #tpu.memory_space<vmem>>, %arg2: memref<128x20xf32, #tpu.memory_space<vmem>>, %arg3: memref<1x20xf32, #tpu.memory_space<vmem>>, %arg4: memref<1000x80xf32, #tpu.memory_space<vmem>>) attributes {dimension_semantics = [#tpu.dimension_semantics<arbitrary>], iteration_bounds = array<i64: 10>, scalar_prefetch = 0 : i64, scratch_operands = 0 : i64, tpu.core_type = #tpu.core_type<tc>, window_params = [{transform_indices = @transform_0, window_bounds = array<i64: 4, 1000, 128>}, {pipeline_mode = #tpu.pipeline_mode<synchronous>, transform_indices = @transform_1, window_bounds = array<i64: 128, 20>}, {pipeline_mode = #tpu.pipeline_mode<synchronous>, transform_indices = @transform_2, window_bounds = array<i64: 1, 20>}, {transform_indices = @transform_3, window_bounds = array<i64: 1000, 80>}]} {
    %get3A = arith.constant 0 : index
    %get3A_0 = arith.constant 0 : index
    %get3A_1 = vector.load %arg2[%get3A, %get3A_0] : memref<128x20xf32, #tpu.memory_space<vmem>>, vector<128x20xf32>
    %get3A_2 = arith.constant 0 : index
    %get3A_3 = arith.constant 0 : index
    %get3A_4 = vector.load %arg3[%get3A_2, %get3A_3] : memref<1x20xf32, #tpu.memory_space<vmem>>, vector<1x20xf32>
    %get3A_5 = arith.constant 0 : index
    %get3A_6 = arith.constant 0 : index
    %get3A_7 = arith.constant 0 : index
    %get3A_8 = vector.load %arg1[%get3A_5, %get3A_6, %get3A_7] : memref<4x1000x128xf32, #tpu.memory_space<vmem>>, vector<1x1000x128xf32>
    %get3A_9 = vector.shape_cast %get3A_8 : vector<1x1000x128xf32> to vector<1000x128xf32>
    %dot_general3A = arith.constant dense<0.000000e+00> : vector<1000x20xf32>
    %dot_general3A_10 = tpu.matmul %get3A_9, %get3A_1, %dot_general3A {dimension_numbers = #tpu.dot_dimension_numbers<[1], [0], [0], [1], [0, 0, 1, 1], [], []>, transpose_lhs_hint = false} : vector<1000x128xf32>, vector<128x20xf32>, vector<1000x20xf32> -> vector<1000x20xf32>
    %add3A = vector.broadcast %get3A_4 : vector<1x20xf32> to vector<1000x20xf32>
    %add3A_11 = arith.addf %dot_general3A_10, %add3A : vector<1000x20xf32>
    %gt3A = arith.constant 0.000000e+00 : f32
    %gt3A_12 = vector.broadcast %gt3A : f32 to vector<1000x20xf32>
    %gt3A_13 = arith.cmpf ogt, %add3A_11, %gt3A_12 : vector<1000x20xf32>
    %min3A = arith.constant 0.000000e+00 : f32
    %min3A_14 = vector.broadcast %min3A : f32 to vector<1000x20xf32>
    %min3A_15 = arith.minimumf %add3A_11, %min3A_14 : vector<1000x20xf32>
    %exp3A = math.exp %min3A_15 : vector<1000x20xf32>
    %sub3A = arith.constant 1.000000e+00 : f32
    %sub3A_16 = vector.broadcast %sub3A : f32 to vector<1000x20xf32>
    %sub3A_17 = arith.subf %exp3A, %sub3A_16 : vector<1000x20xf32>
    %select_n3A = arith.select %gt3A_13, %add3A_11, %sub3A_17 : vector<1000x20xi1>, vector<1000x20xf32>
    %get3A_18 = arith.constant 1 : index
    %get3A_19 = arith.constant 0 : index
    %get3A_20 = arith.constant 0 : index
    %get3A_21 = vector.load %arg1[%get3A_18, %get3A_19, %get3A_20] : memref<4x1000x128xf32, #tpu.memory_space<vmem>>, vector<1x1000x128xf32>
    %get3A_22 = vector.shape_cast %get3A_21 : vector<1x1000x128xf32> to vector<1000x128xf32>
    %dot_general3A_23 = arith.constant dense<0.000000e+00> : vector<1000x20xf32>
    %dot_general3A_24 = tpu.matmul %get3A_22, %get3A_1, %dot_general3A_23 {dimension_numbers = #tpu.dot_dimension_numbers<[1], [0], [0], [1], [0, 0, 1, 1], [], []>, transpose_lhs_hint = false} : vector<1000x128xf32>, vector<128x20xf32>, vector<1000x20xf32> -> vector<1000x20xf32>
    %add3A_25 = vector.broadcast %get3A_4 : vector<1x20xf32> to vector<1000x20xf32>
    %add3A_26 = arith.addf %dot_general3A_24, %add3A_25 : vector<1000x20xf32>
    %gt3A_27 = arith.constant 0.000000e+00 : f32
    %gt3A_28 = vector.broadcast %gt3A_27 : f32 to vector<1000x20xf32>
    %gt3A_29 = arith.cmpf ogt, %add3A_26, %gt3A_28 : vector<1000x20xf32>
    %min3A_30 = arith.constant 0.000000e+00 : f32
    %min3A_31 = vector.broadcast %min3A_30 : f32 to vector<1000x20xf32>
    %min3A_32 = arith.minimumf %add3A_26, %min3A_31 : vector<1000x20xf32>
    %exp3A_33 = math.exp %min3A_32 : vector<1000x20xf32>
    %sub3A_34 = arith.constant 1.000000e+00 : f32
    %sub3A_35 = vector.broadcast %sub3A_34 : f32 to vector<1000x20xf32>
    %sub3A_36 = arith.subf %exp3A_33, %sub3A_35 : vector<1000x20xf32>
    %select_n3A_37 = arith.select %gt3A_29, %add3A_26, %sub3A_36 : vector<1000x20xi1>, vector<1000x20xf32>
    %get3A_38 = arith.constant 2 : index
    %get3A_39 = arith.constant 0 : index
    %get3A_40 = arith.constant 0 : index
    %get3A_41 = vector.load %arg1[%get3A_38, %get3A_39, %get3A_40] : memref<4x1000x128xf32, #tpu.memory_space<vmem>>, vector<1x1000x128xf32>
    %get3A_42 = vector.shape_cast %get3A_41 : vector<1x1000x128xf32> to vector<1000x128xf32>
    %dot_general3A_43 = arith.constant dense<0.000000e+00> : vector<1000x20xf32>
    %dot_general3A_44 = tpu.matmul %get3A_42, %get3A_1, %dot_general3A_43 {dimension_numbers = #tpu.dot_dimension_numbers<[1], [0], [0], [1], [0, 0, 1, 1], [], []>, transpose_lhs_hint = false} : vector<1000x128xf32>, vector<128x20xf32>, vector<1000x20xf32> -> vector<1000x20xf32>
    %add3A_45 = vector.broadcast %get3A_4 : vector<1x20xf32> to vector<1000x20xf32>
    %add3A_46 = arith.addf %dot_general3A_44, %add3A_45 : vector<1000x20xf32>
    %gt3A_47 = arith.constant 0.000000e+00 : f32
    %gt3A_48 = vector.broadcast %gt3A_47 : f32 to vector<1000x20xf32>
    %gt3A_49 = arith.cmpf ogt, %add3A_46, %gt3A_48 : vector<1000x20xf32>
    %min3A_50 = arith.constant 0.000000e+00 : f32
    %min3A_51 = vector.broadcast %min3A_50 : f32 to vector<1000x20xf32>
    %min3A_52 = arith.minimumf %add3A_46, %min3A_51 : vector<1000x20xf32>
    %exp3A_53 = math.exp %min3A_52 : vector<1000x20xf32>
    %sub3A_54 = arith.constant 1.000000e+00 : f32
    %sub3A_55 = vector.broadcast %sub3A_54 : f32 to vector<1000x20xf32>
    %sub3A_56 = arith.subf %exp3A_53, %sub3A_55 : vector<1000x20xf32>
    %select_n3A_57 = arith.select %gt3A_49, %add3A_46, %sub3A_56 : vector<1000x20xi1>, vector<1000x20xf32>
    %get3A_58 = arith.constant 3 : index
    %get3A_59 = arith.constant 0 : index
    %get3A_60 = arith.constant 0 : index
    %get3A_61 = vector.load %arg1[%get3A_58, %get3A_59, %get3A_60] : memref<4x1000x128xf32, #tpu.memory_space<vmem>>, vector<1x1000x128xf32>
    %get3A_62 = vector.shape_cast %get3A_61 : vector<1x1000x128xf32> to vector<1000x128xf32>
    %dot_general3A_63 = arith.constant dense<0.000000e+00> : vector<1000x20xf32>
    %dot_general3A_64 = tpu.matmul %get3A_62, %get3A_1, %dot_general3A_63 {dimension_numbers = #tpu.dot_dimension_numbers<[1], [0], [0], [1], [0, 0, 1, 1], [], []>, transpose_lhs_hint = false} : vector<1000x128xf32>, vector<128x20xf32>, vector<1000x20xf32> -> vector<1000x20xf32>
    %add3A_65 = vector.broadcast %get3A_4 : vector<1x20xf32> to vector<1000x20xf32>
    %add3A_66 = arith.addf %dot_general3A_64, %add3A_65 : vector<1000x20xf32>
    %gt3A_67 = arith.constant 0.000000e+00 : f32
    %gt3A_68 = vector.broadcast %gt3A_67 : f32 to vector<1000x20xf32>
    %gt3A_69 = arith.cmpf ogt, %add3A_66, %gt3A_68 : vector<1000x20xf32>
    %min3A_70 = arith.constant 0.000000e+00 : f32
    %min3A_71 = vector.broadcast %min3A_70 : f32 to vector<1000x20xf32>
    %min3A_72 = arith.minimumf %add3A_66, %min3A_71 : vector<1000x20xf32>
    %exp3A_73 = math.exp %min3A_72 : vector<1000x20xf32>
    %sub3A_74 = arith.constant 1.000000e+00 : f32
    %sub3A_75 = vector.broadcast %sub3A_74 : f32 to vector<1000x20xf32>
    %sub3A_76 = arith.subf %exp3A_73, %sub3A_75 : vector<1000x20xf32>
    %select_n3A_77 = arith.select %gt3A_69, %add3A_66, %sub3A_76 : vector<1000x20xi1>, vector<1000x20xf32>
    %concatenate3A = tpu.concatenate %select_n3A, %select_n3A_37, %select_n3A_57, %select_n3A_77 in 1 : vector<1000x20xf32>, vector<1000x20xf32>, vector<1000x20xf32>, vector<1000x20xf32> -> vector<1000x80xf32>
    %swap3A = arith.constant 0 : index
    %swap3A_78 = arith.constant 0 : index
    %swap3A_79 = vector.load %arg4[%swap3A, %swap3A_78] : memref<1000x80xf32, #tpu.memory_space<vmem>>, vector<1000x80xf32>
    tpu.vector_store %arg4[%swap3A, %swap3A_78], %concatenate3A {strides = array<i32>} : memref<1000x80xf32, #tpu.memory_space<vmem>>, vector<1000x80xf32>,
    return
  }
  func.func @transform_0(%arg0: i32) -> (i32, i32, i32) {
    %c0_i32 = arith.constant 0 : i32
    %c0_i32_0 = arith.constant 0 : i32
    %c0_i32_1 = arith.constant 0 : i32
    return %c0_i32, %arg0, %c0_i32_0 : i32, i32, i32
  }
  func.func @transform_1(%arg0: i32) -> (i32, i32) {
    %c0_i32 = arith.constant 0 : i32
    %c0_i32_0 = arith.constant 0 : i32
    %c0_i32_1 = arith.constant 0 : i32
    return %c0_i32, %c0_i32_0 : i32, i32
  }
  func.func @transform_2(%arg0: i32) -> (i32, i32) {
    %c0_i32 = arith.constant 0 : i32
    %c0_i32_0 = arith.constant 0 : i32
    %c0_i32_1 = arith.constant 0 : i32
    return %c0_i32, %c0_i32_0 : i32, i32
  }
  func.func @transform_3(%arg0: i32) -> (i32, i32) {
    %c0_i32 = arith.constant 0 : i32
    %c0_i32_0 = arith.constant 0 : i32
    return %arg0, %c0_i32 : i32, i32
  }
}

module attributes {stable_mosaic.version = 14 : i64} {
  func.func @_finish_body(%arg0: i32, %arg1: memref<4x1000x128xf32, #tpu.memory_space<vmem>>, %arg2: memref<2x1000x80xf32, #tpu.memory_space<vmem>>, %arg3: memref<128x20xf32, #tpu.memory_space<vmem>>, %arg4: memref<1x20xf32, #tpu.memory_space<vmem>>, %arg5: memref<20x64xf32, #tpu.memory_space<vmem>>, %arg6: memref<20x64xf32, #tpu.memory_space<vmem>>, %arg7: memref<1x64xf32, #tpu.memory_space<vmem>>, %arg8: memref<64x64xf32, #tpu.memory_space<vmem>>, %arg9: memref<1x64xf32, #tpu.memory_space<vmem>>, %arg10: memref<4x1000x128xf32, #tpu.memory_space<vmem>>) attributes {dimension_semantics = [#tpu.dimension_semantics<arbitrary>], iteration_bounds = array<i64: 10>, scalar_prefetch = 0 : i64, scratch_operands = 0 : i64, tpu.core_type = #tpu.core_type<tc>, window_params = [{transform_indices = @transform_0, window_bounds = array<i64: 4, 1000, 128>}, {transform_indices = @transform_1, window_bounds = array<i64: 2, 1000, 80>}, {pipeline_mode = #tpu.pipeline_mode<synchronous>, transform_indices = @transform_2, window_bounds = array<i64: 128, 20>}, {pipeline_mode = #tpu.pipeline_mode<synchronous>, transform_indices = @transform_3, window_bounds = array<i64: 1, 20>}, {pipeline_mode = #tpu.pipeline_mode<synchronous>, transform_indices = @transform_4, window_bounds = array<i64: 20, 64>}, {pipeline_mode = #tpu.pipeline_mode<synchronous>, transform_indices = @transform_5, window_bounds = array<i64: 20, 64>}, {pipeline_mode = #tpu.pipeline_mode<synchronous>, transform_indices = @transform_6, window_bounds = array<i64: 1, 64>}, {pipeline_mode = #tpu.pipeline_mode<synchronous>, transform_indices = @transform_7, window_bounds = array<i64: 64, 64>}, {pipeline_mode = #tpu.pipeline_mode<synchronous>, transform_indices = @transform_8, window_bounds = array<i64: 1, 64>}, {transform_indices = @transform_9, window_bounds = array<i64: 4, 1000, 128>}]} {
    %get3A = arith.constant 0 : index
    %get3A_0 = arith.constant 0 : index
    %get3A_1 = vector.load %arg3[%get3A, %get3A_0] : memref<128x20xf32, #tpu.memory_space<vmem>>, vector<128x20xf32>
    %get3A_2 = arith.constant 0 : index
    %get3A_3 = arith.constant 0 : index
    %get3A_4 = vector.load %arg4[%get3A_2, %get3A_3] : memref<1x20xf32, #tpu.memory_space<vmem>>, vector<1x20xf32>
    %get3A_5 = arith.constant 0 : index
    %get3A_6 = arith.constant 0 : index
    %get3A_7 = vector.load %arg5[%get3A_5, %get3A_6] : memref<20x64xf32, #tpu.memory_space<vmem>>, vector<20x64xf32>
    %get3A_8 = arith.constant 0 : index
    %get3A_9 = arith.constant 0 : index
    %get3A_10 = vector.load %arg6[%get3A_8, %get3A_9] : memref<20x64xf32, #tpu.memory_space<vmem>>, vector<20x64xf32>
    %get3A_11 = arith.constant 0 : index
    %get3A_12 = arith.constant 0 : index
    %get3A_13 = vector.load %arg7[%get3A_11, %get3A_12] : memref<1x64xf32, #tpu.memory_space<vmem>>, vector<1x64xf32>
    %get3A_14 = arith.constant 0 : index
    %get3A_15 = arith.constant 0 : index
    %get3A_16 = vector.load %arg8[%get3A_14, %get3A_15] : memref<64x64xf32, #tpu.memory_space<vmem>>, vector<64x64xf32>
    %get3A_17 = arith.constant 0 : index
    %get3A_18 = arith.constant 0 : index
    %get3A_19 = vector.load %arg9[%get3A_17, %get3A_18] : memref<1x64xf32, #tpu.memory_space<vmem>>, vector<1x64xf32>
    %get3A_20 = arith.constant 0 : index
    %get3A_21 = arith.constant 0 : index
    %get3A_22 = arith.constant 0 : index
    %get3A_23 = vector.load %arg1[%get3A_20, %get3A_21, %get3A_22] : memref<4x1000x128xf32, #tpu.memory_space<vmem>>, vector<1x1000x128xf32>
    %get3A_24 = vector.shape_cast %get3A_23 : vector<1x1000x128xf32> to vector<1000x128xf32>
    %slice3A = vector.extract_strided_slice %get3A_24 {offsets = [0, 0], sizes = [1000, 64], strides = [1, 1]} : vector<1000x128xf32> to vector<1000x64xf32>
    %slice3A_25 = vector.extract_strided_slice %get3A_24 {offsets = [0, 64], sizes = [1000, 64], strides = [1, 1]} : vector<1000x128xf32> to vector<1000x64xf32>
    %dot_general3A = arith.constant dense<0.000000e+00> : vector<1000x20xf32>
    %dot_general3A_26 = tpu.matmul %get3A_24, %get3A_1, %dot_general3A {dimension_numbers = #tpu.dot_dimension_numbers<[1], [0], [0], [1], [0, 0, 1, 1], [], []>, transpose_lhs_hint = false} : vector<1000x128xf32>, vector<128x20xf32>, vector<1000x20xf32> -> vector<1000x20xf32>
    %add3A = vector.broadcast %get3A_4 : vector<1x20xf32> to vector<1000x20xf32>
    %add3A_27 = arith.addf %dot_general3A_26, %add3A : vector<1000x20xf32>
    %gt3A = arith.constant 0.000000e+00 : f32
    %gt3A_28 = vector.broadcast %gt3A : f32 to vector<1000x20xf32>
    %gt3A_29 = arith.cmpf ogt, %add3A_27, %gt3A_28 : vector<1000x20xf32>
    %min3A = arith.constant 0.000000e+00 : f32
    %min3A_30 = vector.broadcast %min3A : f32 to vector<1000x20xf32>
    %min3A_31 = arith.minimumf %add3A_27, %min3A_30 : vector<1000x20xf32>
    %exp3A = math.exp %min3A_31 : vector<1000x20xf32>
    %sub3A = arith.constant 1.000000e+00 : f32
    %sub3A_32 = vector.broadcast %sub3A : f32 to vector<1000x20xf32>
    %sub3A_33 = arith.subf %exp3A, %sub3A_32 : vector<1000x20xf32>
    %select_n3A = arith.select %gt3A_29, %add3A_27, %sub3A_33 : vector<1000x20xi1>, vector<1000x20xf32>
    %get3A_34 = arith.constant 0 : index
    %get3A_35 = arith.constant 0 : index
    %get3A_36 = arith.constant 0 : index
    %get3A_37 = vector.load %arg2[%get3A_34, %get3A_35, %get3A_36] : memref<2x1000x80xf32, #tpu.memory_space<vmem>>, vector<1x1000x20xf32>
    %get3A_38 = vector.shape_cast %get3A_37 : vector<1x1000x20xf32> to vector<1000x20xf32>
    %get3A_39 = arith.constant 1 : index
    %get3A_40 = arith.constant 0 : index
    %get3A_41 = arith.constant 0 : index
    %get3A_42 = vector.load %arg2[%get3A_39, %get3A_40, %get3A_41] : memref<2x1000x80xf32, #tpu.memory_space<vmem>>, vector<1x1000x20xf32>
    %get3A_43 = vector.shape_cast %get3A_42 : vector<1x1000x20xf32> to vector<1000x20xf32>
    %add3A_44 = arith.addf %get3A_38, %get3A_43 : vector<1000x20xf32>
    %dot_general3A_45 = arith.constant dense<0.000000e+00> : vector<1000x64xf32>
    %dot_general3A_46 = tpu.matmul %select_n3A, %get3A_7, %dot_general3A_45 {dimension_numbers = #tpu.dot_dimension_numbers<[1], [0], [0], [1], [0, 0, 1, 1], [], []>, transpose_lhs_hint = false} : vector<1000x20xf32>, vector<20x64xf32>, vector<1000x64xf32> -> vector<1000x64xf32>
    %dot_general3A_47 = arith.constant dense<0.000000e+00> : vector<1000x64xf32>
    %dot_general3A_48 = tpu.matmul %add3A_44, %get3A_10, %dot_general3A_47 {dimension_numbers = #tpu.dot_dimension_numbers<[1], [0], [0], [1], [0, 0, 1, 1], [], []>, transpose_lhs_hint = false} : vector<1000x20xf32>, vector<20x64xf32>, vector<1000x64xf32> -> vector<1000x64xf32>
    %add3A_49 = arith.addf %dot_general3A_46, %dot_general3A_48 : vector<1000x64xf32>
    %add3A_50 = vector.broadcast %get3A_13 : vector<1x64xf32> to vector<1000x64xf32>
    %add3A_51 = arith.addf %add3A_49, %add3A_50 : vector<1000x64xf32>
    %mul3A = arith.mulf %add3A_51, %slice3A : vector<1000x64xf32>
    %reduce_sum3A = arith.constant dense<0.000000e+00> : vector<1000xf32>
    %reduce_sum3A_52 = vector.multi_reduction <add>, %mul3A, %reduce_sum3A [1] : vector<1000x64xf32> to vector<1000xf32>
    %broadcast_in_dim3A = vector.shape_cast %reduce_sum3A_52 : vector<1000xf32> to vector<1000x1xf32>
    %mul3A_53 = arith.mulf %slice3A, %slice3A : vector<1000x64xf32>
    %reduce_sum3A_54 = arith.constant dense<0.000000e+00> : vector<1000xf32>
    %reduce_sum3A_55 = vector.multi_reduction <add>, %mul3A_53, %reduce_sum3A_54 [1] : vector<1000x64xf32> to vector<1000xf32>
    %broadcast_in_dim3A_56 = vector.shape_cast %reduce_sum3A_55 : vector<1000xf32> to vector<1000x1xf32>
    %div3A = arith.divf %broadcast_in_dim3A, %broadcast_in_dim3A_56 : vector<1000x1xf32>
    %mul3A_57 = vector.broadcast %div3A : vector<1000x1xf32> to vector<1000x64xf32>
    %mul3A_58 = arith.mulf %mul3A_57, %slice3A : vector<1000x64xf32>
    %sub3A_59 = arith.subf %add3A_51, %mul3A_58 : vector<1000x64xf32>
    %dot_general3A_60 = arith.constant dense<0.000000e+00> : vector<1000x64xf32>
    %dot_general3A_61 = tpu.matmul %slice3A, %get3A_16, %dot_general3A_60 {dimension_numbers = #tpu.dot_dimension_numbers<[1], [0], [0], [1], [0, 0, 1, 1], [], []>, transpose_lhs_hint = false} : vector<1000x64xf32>, vector<64x64xf32>, vector<1000x64xf32> -> vector<1000x64xf32>
    %add3A_62 = vector.broadcast %get3A_19 : vector<1x64xf32> to vector<1000x64xf32>
    %add3A_63 = arith.addf %dot_general3A_61, %add3A_62 : vector<1000x64xf32>
    %max3A = arith.constant 0.000000e+00 : f32
    %max3A_64 = vector.broadcast %max3A : f32 to vector<1000x64xf32>
    %max3A_65 = arith.maximumf %add3A_63, %max3A_64 : vector<1000x64xf32>
    %abs3A = math.absf %add3A_63 : vector<1000x64xf32>
    %neg3A = arith.constant 0.000000e+00 : f32
    %neg3A_66 = vector.broadcast %neg3A : f32 to vector<1000x64xf32>
    %neg3A_67 = arith.subf %neg3A_66, %abs3A : vector<1000x64xf32>
    %exp3A_68 = math.exp %neg3A_67 : vector<1000x64xf32>
    %add3A_69 = arith.constant 1.000000e+00 : f32
    %add3A_70 = vector.broadcast %add3A_69 : f32 to vector<1000x64xf32>
    %add3A_71 = arith.addf %add3A_70, %exp3A_68 : vector<1000x64xf32>
    %log3A = math.log %add3A_71 : vector<1000x64xf32>
    %add3A_72 = arith.addf %max3A_65, %log3A : vector<1000x64xf32>
    %neg3A_73 = arith.constant 0.000000e+00 : f32
    %neg3A_74 = vector.broadcast %neg3A_73 : f32 to vector<1000x64xf32>
    %neg3A_75 = arith.subf %neg3A_74, %add3A_72 : vector<1000x64xf32>
    %mul3A_76 = arith.mulf %neg3A_75, %slice3A_25 : vector<1000x64xf32>
    %concatenate3A = tpu.concatenate %sub3A_59, %mul3A_76 in 1 : vector<1000x64xf32>, vector<1000x64xf32> -> vector<1000x128xf32>
    %swap3A = arith.constant 0 : index
    %swap3A_77 = arith.constant 0 : index
    %swap3A_78 = arith.constant 0 : index
    %swap3A_79 = vector.load %arg10[%swap3A, %swap3A_77, %swap3A_78] : memref<4x1000x128xf32, #tpu.memory_space<vmem>>, vector<1x1000x128xf32>
    %swap3A_80 = vector.shape_cast %swap3A_79 : vector<1x1000x128xf32> to vector<1000x128xf32>
    %swap3A_81 = vector.shape_cast %concatenate3A : vector<1000x128xf32> to vector<1x1000x128xf32>
    tpu.vector_store %arg10[%swap3A, %swap3A_77, %swap3A_78], %swap3A_81 {strides = array<i32>} : memref<4x1000x128xf32, #tpu.memory_space<vmem>>, vector<1x1000x128xf32>,
    %get3A_82 = arith.constant 1 : index
    %get3A_83 = arith.constant 0 : index
    %get3A_84 = arith.constant 0 : index
    %get3A_85 = vector.load %arg1[%get3A_82, %get3A_83, %get3A_84] : memref<4x1000x128xf32, #tpu.memory_space<vmem>>, vector<1x1000x128xf32>
    %get3A_86 = vector.shape_cast %get3A_85 : vector<1x1000x128xf32> to vector<1000x128xf32>
    %slice3A_87 = vector.extract_strided_slice %get3A_86 {offsets = [0, 0], sizes = [1000, 64], strides = [1, 1]} : vector<1000x128xf32> to vector<1000x64xf32>
    %slice3A_88 = vector.extract_strided_slice %get3A_86 {offsets = [0, 64], sizes = [1000, 64], strides = [1, 1]} : vector<1000x128xf32> to vector<1000x64xf32>
    %dot_general3A_89 = arith.constant dense<0.000000e+00> : vector<1000x20xf32>
    %dot_general3A_90 = tpu.matmul %get3A_86, %get3A_1, %dot_general3A_89 {dimension_numbers = #tpu.dot_dimension_numbers<[1], [0], [0], [1], [0, 0, 1, 1], [], []>, transpose_lhs_hint = false} : vector<1000x128xf32>, vector<128x20xf32>, vector<1000x20xf32> -> vector<1000x20xf32>
    %add3A_91 = vector.broadcast %get3A_4 : vector<1x20xf32> to vector<1000x20xf32>
    %add3A_92 = arith.addf %dot_general3A_90, %add3A_91 : vector<1000x20xf32>
    %gt3A_93 = arith.constant 0.000000e+00 : f32
    %gt3A_94 = vector.broadcast %gt3A_93 : f32 to vector<1000x20xf32>
    %gt3A_95 = arith.cmpf ogt, %add3A_92, %gt3A_94 : vector<1000x20xf32>
    %min3A_96 = arith.constant 0.000000e+00 : f32
    %min3A_97 = vector.broadcast %min3A_96 : f32 to vector<1000x20xf32>
    %min3A_98 = arith.minimumf %add3A_92, %min3A_97 : vector<1000x20xf32>
    %exp3A_99 = math.exp %min3A_98 : vector<1000x20xf32>
    %sub3A_100 = arith.constant 1.000000e+00 : f32
    %sub3A_101 = vector.broadcast %sub3A_100 : f32 to vector<1000x20xf32>
    %sub3A_102 = arith.subf %exp3A_99, %sub3A_101 : vector<1000x20xf32>
    %select_n3A_103 = arith.select %gt3A_95, %add3A_92, %sub3A_102 : vector<1000x20xi1>, vector<1000x20xf32>
    %get3A_104 = arith.constant 0 : index
    %get3A_105 = arith.constant 0 : index
    %get3A_106 = arith.constant 20 : index
    %get3A_107 = vector.load %arg2[%get3A_104, %get3A_105, %get3A_106] : memref<2x1000x80xf32, #tpu.memory_space<vmem>>, vector<1x1000x20xf32>
    %get3A_108 = vector.shape_cast %get3A_107 : vector<1x1000x20xf32> to vector<1000x20xf32>
    %get3A_109 = arith.constant 1 : index
    %get3A_110 = arith.constant 0 : index
    %get3A_111 = arith.constant 20 : index
    %get3A_112 = vector.load %arg2[%get3A_109, %get3A_110, %get3A_111] : memref<2x1000x80xf32, #tpu.memory_space<vmem>>, vector<1x1000x20xf32>
    %get3A_113 = vector.shape_cast %get3A_112 : vector<1x1000x20xf32> to vector<1000x20xf32>
    %add3A_114 = arith.addf %get3A_108, %get3A_113 : vector<1000x20xf32>
    %dot_general3A_115 = arith.constant dense<0.000000e+00> : vector<1000x64xf32>
    %dot_general3A_116 = tpu.matmul %select_n3A_103, %get3A_7, %dot_general3A_115 {dimension_numbers = #tpu.dot_dimension_numbers<[1], [0], [0], [1], [0, 0, 1, 1], [], []>, transpose_lhs_hint = false} : vector<1000x20xf32>, vector<20x64xf32>, vector<1000x64xf32> -> vector<1000x64xf32>
    %dot_general3A_117 = arith.constant dense<0.000000e+00> : vector<1000x64xf32>
    %dot_general3A_118 = tpu.matmul %add3A_114, %get3A_10, %dot_general3A_117 {dimension_numbers = #tpu.dot_dimension_numbers<[1], [0], [0], [1], [0, 0, 1, 1], [], []>, transpose_lhs_hint = false} : vector<1000x20xf32>, vector<20x64xf32>, vector<1000x64xf32> -> vector<1000x64xf32>
    %add3A_119 = arith.addf %dot_general3A_116, %dot_general3A_118 : vector<1000x64xf32>
    %add3A_120 = vector.broadcast %get3A_13 : vector<1x64xf32> to vector<1000x64xf32>
    %add3A_121 = arith.addf %add3A_119, %add3A_120 : vector<1000x64xf32>
    %mul3A_122 = arith.mulf %add3A_121, %slice3A_87 : vector<1000x64xf32>
    %reduce_sum3A_123 = arith.constant dense<0.000000e+00> : vector<1000xf32>
    %reduce_sum3A_124 = vector.multi_reduction <add>, %mul3A_122, %reduce_sum3A_123 [1] : vector<1000x64xf32> to vector<1000xf32>
    %broadcast_in_dim3A_125 = vector.shape_cast %reduce_sum3A_124 : vector<1000xf32> to vector<1000x1xf32>
    %mul3A_126 = arith.mulf %slice3A_87, %slice3A_87 : vector<1000x64xf32>
    %reduce_sum3A_127 = arith.constant dense<0.000000e+00> : vector<1000xf32>
    %reduce_sum3A_128 = vector.multi_reduction <add>, %mul3A_126, %reduce_sum3A_127 [1] : vector<1000x64xf32> to vector<1000xf32>
    %broadcast_in_dim3A_129 = vector.shape_cast %reduce_sum3A_128 : vector<1000xf32> to vector<1000x1xf32>
    %div3A_130 = arith.divf %broadcast_in_dim3A_125, %broadcast_in_dim3A_129 : vector<1000x1xf32>
    %mul3A_131 = vector.broadcast %div3A_130 : vector<1000x1xf32> to vector<1000x64xf32>
    %mul3A_132 = arith.mulf %mul3A_131, %slice3A_87 : vector<1000x64xf32>
    %sub3A_133 = arith.subf %add3A_121, %mul3A_132 : vector<1000x64xf32>
    %dot_general3A_134 = arith.constant dense<0.000000e+00> : vector<1000x64xf32>
    %dot_general3A_135 = tpu.matmul %slice3A_87, %get3A_16, %dot_general3A_134 {dimension_numbers = #tpu.dot_dimension_numbers<[1], [0], [0], [1], [0, 0, 1, 1], [], []>, transpose_lhs_hint = false} : vector<1000x64xf32>, vector<64x64xf32>, vector<1000x64xf32> -> vector<1000x64xf32>
    %add3A_136 = vector.broadcast %get3A_19 : vector<1x64xf32> to vector<1000x64xf32>
    %add3A_137 = arith.addf %dot_general3A_135, %add3A_136 : vector<1000x64xf32>
    %max3A_138 = arith.constant 0.000000e+00 : f32
    %max3A_139 = vector.broadcast %max3A_138 : f32 to vector<1000x64xf32>
    %max3A_140 = arith.maximumf %add3A_137, %max3A_139 : vector<1000x64xf32>
    %abs3A_141 = math.absf %add3A_137 : vector<1000x64xf32>
    %neg3A_142 = arith.constant 0.000000e+00 : f32
    %neg3A_143 = vector.broadcast %neg3A_142 : f32 to vector<1000x64xf32>
    %neg3A_144 = arith.subf %neg3A_143, %abs3A_141 : vector<1000x64xf32>
    %exp3A_145 = math.exp %neg3A_144 : vector<1000x64xf32>
    %add3A_146 = arith.constant 1.000000e+00 : f32
    %add3A_147 = vector.broadcast %add3A_146 : f32 to vector<1000x64xf32>
    %add3A_148 = arith.addf %add3A_147, %exp3A_145 : vector<1000x64xf32>
    %log3A_149 = math.log %add3A_148 : vector<1000x64xf32>
    %add3A_150 = arith.addf %max3A_140, %log3A_149 : vector<1000x64xf32>
    %neg3A_151 = arith.constant 0.000000e+00 : f32
    %neg3A_152 = vector.broadcast %neg3A_151 : f32 to vector<1000x64xf32>
    %neg3A_153 = arith.subf %neg3A_152, %add3A_150 : vector<1000x64xf32>
    %mul3A_154 = arith.mulf %neg3A_153, %slice3A_88 : vector<1000x64xf32>
    %concatenate3A_155 = tpu.concatenate %sub3A_133, %mul3A_154 in 1 : vector<1000x64xf32>, vector<1000x64xf32> -> vector<1000x128xf32>
    %swap3A_156 = arith.constant 1 : index
    %swap3A_157 = arith.constant 0 : index
    %swap3A_158 = arith.constant 0 : index
    %swap3A_159 = vector.load %arg10[%swap3A_156, %swap3A_157, %swap3A_158] : memref<4x1000x128xf32, #tpu.memory_space<vmem>>, vector<1x1000x128xf32>
    %swap3A_160 = vector.shape_cast %swap3A_159 : vector<1x1000x128xf32> to vector<1000x128xf32>
    %swap3A_161 = vector.shape_cast %concatenate3A_155 : vector<1000x128xf32> to vector<1x1000x128xf32>
    tpu.vector_store %arg10[%swap3A_156, %swap3A_157, %swap3A_158], %swap3A_161 {strides = array<i32>} : memref<4x1000x128xf32, #tpu.memory_space<vmem>>, vector<1x1000x128xf32>,
    %get3A_162 = arith.constant 2 : index
    %get3A_163 = arith.constant 0 : index
    %get3A_164 = arith.constant 0 : index
    %get3A_165 = vector.load %arg1[%get3A_162, %get3A_163, %get3A_164] : memref<4x1000x128xf32, #tpu.memory_space<vmem>>, vector<1x1000x128xf32>
    %get3A_166 = vector.shape_cast %get3A_165 : vector<1x1000x128xf32> to vector<1000x128xf32>
    %slice3A_167 = vector.extract_strided_slice %get3A_166 {offsets = [0, 0], sizes = [1000, 64], strides = [1, 1]} : vector<1000x128xf32> to vector<1000x64xf32>
    %slice3A_168 = vector.extract_strided_slice %get3A_166 {offsets = [0, 64], sizes = [1000, 64], strides = [1, 1]} : vector<1000x128xf32> to vector<1000x64xf32>
    %dot_general3A_169 = arith.constant dense<0.000000e+00> : vector<1000x20xf32>
    %dot_general3A_170 = tpu.matmul %get3A_166, %get3A_1, %dot_general3A_169 {dimension_numbers = #tpu.dot_dimension_numbers<[1], [0], [0], [1], [0, 0, 1, 1], [], []>, transpose_lhs_hint = false} : vector<1000x128xf32>, vector<128x20xf32>, vector<1000x20xf32> -> vector<1000x20xf32>
    %add3A_171 = vector.broadcast %get3A_4 : vector<1x20xf32> to vector<1000x20xf32>
    %add3A_172 = arith.addf %dot_general3A_170, %add3A_171 : vector<1000x20xf32>
    %gt3A_173 = arith.constant 0.000000e+00 : f32
    %gt3A_174 = vector.broadcast %gt3A_173 : f32 to vector<1000x20xf32>
    %gt3A_175 = arith.cmpf ogt, %add3A_172, %gt3A_174 : vector<1000x20xf32>
    %min3A_176 = arith.constant 0.000000e+00 : f32
    %min3A_177 = vector.broadcast %min3A_176 : f32 to vector<1000x20xf32>
    %min3A_178 = arith.minimumf %add3A_172, %min3A_177 : vector<1000x20xf32>
    %exp3A_179 = math.exp %min3A_178 : vector<1000x20xf32>
    %sub3A_180 = arith.constant 1.000000e+00 : f32
    %sub3A_181 = vector.broadcast %sub3A_180 : f32 to vector<1000x20xf32>
    %sub3A_182 = arith.subf %exp3A_179, %sub3A_181 : vector<1000x20xf32>
    %select_n3A_183 = arith.select %gt3A_175, %add3A_172, %sub3A_182 : vector<1000x20xi1>, vector<1000x20xf32>
    %get3A_184 = arith.constant 0 : index
    %get3A_185 = arith.constant 0 : index
    %get3A_186 = arith.constant 40 : index
    %get3A_187 = vector.load %arg2[%get3A_184, %get3A_185, %get3A_186] : memref<2x1000x80xf32, #tpu.memory_space<vmem>>, vector<1x1000x20xf32>
    %get3A_188 = vector.shape_cast %get3A_187 : vector<1x1000x20xf32> to vector<1000x20xf32>
    %get3A_189 = arith.constant 1 : index
    %get3A_190 = arith.constant 0 : index
    %get3A_191 = arith.constant 40 : index
    %get3A_192 = vector.load %arg2[%get3A_189, %get3A_190, %get3A_191] : memref<2x1000x80xf32, #tpu.memory_space<vmem>>, vector<1x1000x20xf32>
    %get3A_193 = vector.shape_cast %get3A_192 : vector<1x1000x20xf32> to vector<1000x20xf32>
    %add3A_194 = arith.addf %get3A_188, %get3A_193 : vector<1000x20xf32>
    %dot_general3A_195 = arith.constant dense<0.000000e+00> : vector<1000x64xf32>
    %dot_general3A_196 = tpu.matmul %select_n3A_183, %get3A_7, %dot_general3A_195 {dimension_numbers = #tpu.dot_dimension_numbers<[1], [0], [0], [1], [0, 0, 1, 1], [], []>, transpose_lhs_hint = false} : vector<1000x20xf32>, vector<20x64xf32>, vector<1000x64xf32> -> vector<1000x64xf32>
    %dot_general3A_197 = arith.constant dense<0.000000e+00> : vector<1000x64xf32>
    %dot_general3A_198 = tpu.matmul %add3A_194, %get3A_10, %dot_general3A_197 {dimension_numbers = #tpu.dot_dimension_numbers<[1], [0], [0], [1], [0, 0, 1, 1], [], []>, transpose_lhs_hint = false} : vector<1000x20xf32>, vector<20x64xf32>, vector<1000x64xf32> -> vector<1000x64xf32>
    %add3A_199 = arith.addf %dot_general3A_196, %dot_general3A_198 : vector<1000x64xf32>
    %add3A_200 = vector.broadcast %get3A_13 : vector<1x64xf32> to vector<1000x64xf32>
    %add3A_201 = arith.addf %add3A_199, %add3A_200 : vector<1000x64xf32>
    %mul3A_202 = arith.mulf %add3A_201, %slice3A_167 : vector<1000x64xf32>
    %reduce_sum3A_203 = arith.constant dense<0.000000e+00> : vector<1000xf32>
    %reduce_sum3A_204 = vector.multi_reduction <add>, %mul3A_202, %reduce_sum3A_203 [1] : vector<1000x64xf32> to vector<1000xf32>
    %broadcast_in_dim3A_205 = vector.shape_cast %reduce_sum3A_204 : vector<1000xf32> to vector<1000x1xf32>
    %mul3A_206 = arith.mulf %slice3A_167, %slice3A_167 : vector<1000x64xf32>
    %reduce_sum3A_207 = arith.constant dense<0.000000e+00> : vector<1000xf32>
    %reduce_sum3A_208 = vector.multi_reduction <add>, %mul3A_206, %reduce_sum3A_207 [1] : vector<1000x64xf32> to vector<1000xf32>
    %broadcast_in_dim3A_209 = vector.shape_cast %reduce_sum3A_208 : vector<1000xf32> to vector<1000x1xf32>
    %div3A_210 = arith.divf %broadcast_in_dim3A_205, %broadcast_in_dim3A_209 : vector<1000x1xf32>
    %mul3A_211 = vector.broadcast %div3A_210 : vector<1000x1xf32> to vector<1000x64xf32>
    %mul3A_212 = arith.mulf %mul3A_211, %slice3A_167 : vector<1000x64xf32>
    %sub3A_213 = arith.subf %add3A_201, %mul3A_212 : vector<1000x64xf32>
    %dot_general3A_214 = arith.constant dense<0.000000e+00> : vector<1000x64xf32>
    %dot_general3A_215 = tpu.matmul %slice3A_167, %get3A_16, %dot_general3A_214 {dimension_numbers = #tpu.dot_dimension_numbers<[1], [0], [0], [1], [0, 0, 1, 1], [], []>, transpose_lhs_hint = false} : vector<1000x64xf32>, vector<64x64xf32>, vector<1000x64xf32> -> vector<1000x64xf32>
    %add3A_216 = vector.broadcast %get3A_19 : vector<1x64xf32> to vector<1000x64xf32>
    %add3A_217 = arith.addf %dot_general3A_215, %add3A_216 : vector<1000x64xf32>
    %max3A_218 = arith.constant 0.000000e+00 : f32
    %max3A_219 = vector.broadcast %max3A_218 : f32 to vector<1000x64xf32>
    %max3A_220 = arith.maximumf %add3A_217, %max3A_219 : vector<1000x64xf32>
    %abs3A_221 = math.absf %add3A_217 : vector<1000x64xf32>
    %neg3A_222 = arith.constant 0.000000e+00 : f32
    %neg3A_223 = vector.broadcast %neg3A_222 : f32 to vector<1000x64xf32>
    %neg3A_224 = arith.subf %neg3A_223, %abs3A_221 : vector<1000x64xf32>
    %exp3A_225 = math.exp %neg3A_224 : vector<1000x64xf32>
    %add3A_226 = arith.constant 1.000000e+00 : f32
    %add3A_227 = vector.broadcast %add3A_226 : f32 to vector<1000x64xf32>
    %add3A_228 = arith.addf %add3A_227, %exp3A_225 : vector<1000x64xf32>
    %log3A_229 = math.log %add3A_228 : vector<1000x64xf32>
    %add3A_230 = arith.addf %max3A_220, %log3A_229 : vector<1000x64xf32>
    %neg3A_231 = arith.constant 0.000000e+00 : f32
    %neg3A_232 = vector.broadcast %neg3A_231 : f32 to vector<1000x64xf32>
    %neg3A_233 = arith.subf %neg3A_232, %add3A_230 : vector<1000x64xf32>
    %mul3A_234 = arith.mulf %neg3A_233, %slice3A_168 : vector<1000x64xf32>
    %concatenate3A_235 = tpu.concatenate %sub3A_213, %mul3A_234 in 1 : vector<1000x64xf32>, vector<1000x64xf32> -> vector<1000x128xf32>
    %swap3A_236 = arith.constant 2 : index
    %swap3A_237 = arith.constant 0 : index
    %swap3A_238 = arith.constant 0 : index
    %swap3A_239 = vector.load %arg10[%swap3A_236, %swap3A_237, %swap3A_238] : memref<4x1000x128xf32, #tpu.memory_space<vmem>>, vector<1x1000x128xf32>
    %swap3A_240 = vector.shape_cast %swap3A_239 : vector<1x1000x128xf32> to vector<1000x128xf32>
    %swap3A_241 = vector.shape_cast %concatenate3A_235 : vector<1000x128xf32> to vector<1x1000x128xf32>
    tpu.vector_store %arg10[%swap3A_236, %swap3A_237, %swap3A_238], %swap3A_241 {strides = array<i32>} : memref<4x1000x128xf32, #tpu.memory_space<vmem>>, vector<1x1000x128xf32>,
    %get3A_242 = arith.constant 3 : index
    %get3A_243 = arith.constant 0 : index
    %get3A_244 = arith.constant 0 : index
    %get3A_245 = vector.load %arg1[%get3A_242, %get3A_243, %get3A_244] : memref<4x1000x128xf32, #tpu.memory_space<vmem>>, vector<1x1000x128xf32>
    %get3A_246 = vector.shape_cast %get3A_245 : vector<1x1000x128xf32> to vector<1000x128xf32>
    %slice3A_247 = vector.extract_strided_slice %get3A_246 {offsets = [0, 0], sizes = [1000, 64], strides = [1, 1]} : vector<1000x128xf32> to vector<1000x64xf32>
    %slice3A_248 = vector.extract_strided_slice %get3A_246 {offsets = [0, 64], sizes = [1000, 64], strides = [1, 1]} : vector<1000x128xf32> to vector<1000x64xf32>
    %dot_general3A_249 = arith.constant dense<0.000000e+00> : vector<1000x20xf32>
    %dot_general3A_250 = tpu.matmul %get3A_246, %get3A_1, %dot_general3A_249 {dimension_numbers = #tpu.dot_dimension_numbers<[1], [0], [0], [1], [0, 0, 1, 1], [], []>, transpose_lhs_hint = false} : vector<1000x128xf32>, vector<128x20xf32>, vector<1000x20xf32> -> vector<1000x20xf32>
    %add3A_251 = vector.broadcast %get3A_4 : vector<1x20xf32> to vector<1000x20xf32>
    %add3A_252 = arith.addf %dot_general3A_250, %add3A_251 : vector<1000x20xf32>
    %gt3A_253 = arith.constant 0.000000e+00 : f32
    %gt3A_254 = vector.broadcast %gt3A_253 : f32 to vector<1000x20xf32>
    %gt3A_255 = arith.cmpf ogt, %add3A_252, %gt3A_254 : vector<1000x20xf32>
    %min3A_256 = arith.constant 0.000000e+00 : f32
    %min3A_257 = vector.broadcast %min3A_256 : f32 to vector<1000x20xf32>
    %min3A_258 = arith.minimumf %add3A_252, %min3A_257 : vector<1000x20xf32>
    %exp3A_259 = math.exp %min3A_258 : vector<1000x20xf32>
    %sub3A_260 = arith.constant 1.000000e+00 : f32
    %sub3A_261 = vector.broadcast %sub3A_260 : f32 to vector<1000x20xf32>
    %sub3A_262 = arith.subf %exp3A_259, %sub3A_261 : vector<1000x20xf32>
    %select_n3A_263 = arith.select %gt3A_255, %add3A_252, %sub3A_262 : vector<1000x20xi1>, vector<1000x20xf32>
    %get3A_264 = arith.constant 0 : index
    %get3A_265 = arith.constant 0 : index
    %get3A_266 = arith.constant 60 : index
    %get3A_267 = vector.load %arg2[%get3A_264, %get3A_265, %get3A_266] : memref<2x1000x80xf32, #tpu.memory_space<vmem>>, vector<1x1000x20xf32>
    %get3A_268 = vector.shape_cast %get3A_267 : vector<1x1000x20xf32> to vector<1000x20xf32>
    %get3A_269 = arith.constant 1 : index
    %get3A_270 = arith.constant 0 : index
    %get3A_271 = arith.constant 60 : index
    %get3A_272 = vector.load %arg2[%get3A_269, %get3A_270, %get3A_271] : memref<2x1000x80xf32, #tpu.memory_space<vmem>>, vector<1x1000x20xf32>
    %get3A_273 = vector.shape_cast %get3A_272 : vector<1x1000x20xf32> to vector<1000x20xf32>
    %add3A_274 = arith.addf %get3A_268, %get3A_273 : vector<1000x20xf32>
    %dot_general3A_275 = arith.constant dense<0.000000e+00> : vector<1000x64xf32>
    %dot_general3A_276 = tpu.matmul %select_n3A_263, %get3A_7, %dot_general3A_275 {dimension_numbers = #tpu.dot_dimension_numbers<[1], [0], [0], [1], [0, 0, 1, 1], [], []>, transpose_lhs_hint = false} : vector<1000x20xf32>, vector<20x64xf32>, vector<1000x64xf32> -> vector<1000x64xf32>
    %dot_general3A_277 = arith.constant dense<0.000000e+00> : vector<1000x64xf32>
    %dot_general3A_278 = tpu.matmul %add3A_274, %get3A_10, %dot_general3A_277 {dimension_numbers = #tpu.dot_dimension_numbers<[1], [0], [0], [1], [0, 0, 1, 1], [], []>, transpose_lhs_hint = false} : vector<1000x20xf32>, vector<20x64xf32>, vector<1000x64xf32> -> vector<1000x64xf32>
    %add3A_279 = arith.addf %dot_general3A_276, %dot_general3A_278 : vector<1000x64xf32>
    %add3A_280 = vector.broadcast %get3A_13 : vector<1x64xf32> to vector<1000x64xf32>
    %add3A_281 = arith.addf %add3A_279, %add3A_280 : vector<1000x64xf32>
    %mul3A_282 = arith.mulf %add3A_281, %slice3A_247 : vector<1000x64xf32>
    %reduce_sum3A_283 = arith.constant dense<0.000000e+00> : vector<1000xf32>
    %reduce_sum3A_284 = vector.multi_reduction <add>, %mul3A_282, %reduce_sum3A_283 [1] : vector<1000x64xf32> to vector<1000xf32>
    %broadcast_in_dim3A_285 = vector.shape_cast %reduce_sum3A_284 : vector<1000xf32> to vector<1000x1xf32>
    %mul3A_286 = arith.mulf %slice3A_247, %slice3A_247 : vector<1000x64xf32>
    %reduce_sum3A_287 = arith.constant dense<0.000000e+00> : vector<1000xf32>
    %reduce_sum3A_288 = vector.multi_reduction <add>, %mul3A_286, %reduce_sum3A_287 [1] : vector<1000x64xf32> to vector<1000xf32>
    %broadcast_in_dim3A_289 = vector.shape_cast %reduce_sum3A_288 : vector<1000xf32> to vector<1000x1xf32>
    %div3A_290 = arith.divf %broadcast_in_dim3A_285, %broadcast_in_dim3A_289 : vector<1000x1xf32>
    %mul3A_291 = vector.broadcast %div3A_290 : vector<1000x1xf32> to vector<1000x64xf32>
    %mul3A_292 = arith.mulf %mul3A_291, %slice3A_247 : vector<1000x64xf32>
    %sub3A_293 = arith.subf %add3A_281, %mul3A_292 : vector<1000x64xf32>
    %dot_general3A_294 = arith.constant dense<0.000000e+00> : vector<1000x64xf32>
    %dot_general3A_295 = tpu.matmul %slice3A_247, %get3A_16, %dot_general3A_294 {dimension_numbers = #tpu.dot_dimension_numbers<[1], [0], [0], [1], [0, 0, 1, 1], [], []>, transpose_lhs_hint = false} : vector<1000x64xf32>, vector<64x64xf32>, vector<1000x64xf32> -> vector<1000x64xf32>
    %add3A_296 = vector.broadcast %get3A_19 : vector<1x64xf32> to vector<1000x64xf32>
    %add3A_297 = arith.addf %dot_general3A_295, %add3A_296 : vector<1000x64xf32>
    %max3A_298 = arith.constant 0.000000e+00 : f32
    %max3A_299 = vector.broadcast %max3A_298 : f32 to vector<1000x64xf32>
    %max3A_300 = arith.maximumf %add3A_297, %max3A_299 : vector<1000x64xf32>
    %abs3A_301 = math.absf %add3A_297 : vector<1000x64xf32>
    %neg3A_302 = arith.constant 0.000000e+00 : f32
    %neg3A_303 = vector.broadcast %neg3A_302 : f32 to vector<1000x64xf32>
    %neg3A_304 = arith.subf %neg3A_303, %abs3A_301 : vector<1000x64xf32>
    %exp3A_305 = math.exp %neg3A_304 : vector<1000x64xf32>
    %add3A_306 = arith.constant 1.000000e+00 : f32
    %add3A_307 = vector.broadcast %add3A_306 : f32 to vector<1000x64xf32>
    %add3A_308 = arith.addf %add3A_307, %exp3A_305 : vector<1000x64xf32>
    %log3A_309 = math.log %add3A_308 : vector<1000x64xf32>
    %add3A_310 = arith.addf %max3A_300, %log3A_309 : vector<1000x64xf32>
    %neg3A_311 = arith.constant 0.000000e+00 : f32
    %neg3A_312 = vector.broadcast %neg3A_311 : f32 to vector<1000x64xf32>
    %neg3A_313 = arith.subf %neg3A_312, %add3A_310 : vector<1000x64xf32>
    %mul3A_314 = arith.mulf %neg3A_313, %slice3A_248 : vector<1000x64xf32>
    %concatenate3A_315 = tpu.concatenate %sub3A_293, %mul3A_314 in 1 : vector<1000x64xf32>, vector<1000x64xf32> -> vector<1000x128xf32>
    %swap3A_316 = arith.constant 3 : index
    %swap3A_317 = arith.constant 0 : index
    %swap3A_318 = arith.constant 0 : index
    %swap3A_319 = vector.load %arg10[%swap3A_316, %swap3A_317, %swap3A_318] : memref<4x1000x128xf32, #tpu.memory_space<vmem>>, vector<1x1000x128xf32>
    %swap3A_320 = vector.shape_cast %swap3A_319 : vector<1x1000x128xf32> to vector<1000x128xf32>
    %swap3A_321 = vector.shape_cast %concatenate3A_315 : vector<1000x128xf32> to vector<1x1000x128xf32>
    tpu.vector_store %arg10[%swap3A_316, %swap3A_317, %swap3A_318], %swap3A_321 {strides = array<i32>} : memref<4x1000x128xf32, #tpu.memory_space<vmem>>, vector<1x1000x128xf32>,
    return
  }
  func.func @transform_0(%arg0: i32) -> (i32, i32, i32) {
    %c0_i32 = arith.constant 0 : i32
    %c0_i32_0 = arith.constant 0 : i32
    %c0_i32_1 = arith.constant 0 : i32
    return %c0_i32, %arg0, %c0_i32_0 : i32, i32, i32
  }
  func.func @transform_1(%arg0: i32) -> (i32, i32, i32) {
    %c0_i32 = arith.constant 0 : i32
    %c0_i32_0 = arith.constant 0 : i32
    %c0_i32_1 = arith.constant 0 : i32
    return %c0_i32, %arg0, %c0_i32_0 : i32, i32, i32
  }
  func.func @transform_2(%arg0: i32) -> (i32, i32) {
    %c0_i32 = arith.constant 0 : i32
    %c0_i32_0 = arith.constant 0 : i32
    %c0_i32_1 = arith.constant 0 : i32
    return %c0_i32, %c0_i32_0 : i32, i32
  }
  func.func @transform_3(%arg0: i32) -> (i32, i32) {
    %c0_i32 = arith.constant 0 : i32
    %c0_i32_0 = arith.constant 0 : i32
    %c0_i32_1 = arith.constant 0 : i32
    return %c0_i32, %c0_i32_0 : i32, i32
  }
  func.func @transform_4(%arg0: i32) -> (i32, i32) {
    %c0_i32 = arith.constant 0 : i32
    %c0_i32_0 = arith.constant 0 : i32
    %c0_i32_1 = arith.constant 0 : i32
    return %c0_i32, %c0_i32_0 : i32, i32
  }
  func.func @transform_5(%arg0: i32) -> (i32, i32) {
    %c0_i32 = arith.constant 0 : i32
    %c0_i32_0 = arith.constant 0 : i32
    %c0_i32_1 = arith.constant 0 : i32
    return %c0_i32, %c0_i32_0 : i32, i32
  }
  func.func @transform_6(%arg0: i32) -> (i32, i32) {
    %c0_i32 = arith.constant 0 : i32
    %c0_i32_0 = arith.constant 0 : i32
    %c0_i32_1 = arith.constant 0 : i32
    return %c0_i32, %c0_i32_0 : i32, i32
  }
  func.func @transform_7(%arg0: i32) -> (i32, i32) {
    %c0_i32 = arith.constant 0 : i32
    %c0_i32_0 = arith.constant 0 : i32
    %c0_i32_1 = arith.constant 0 : i32
    return %c0_i32, %c0_i32_0 : i32, i32
  }
  func.func @transform_8(%arg0: i32) -> (i32, i32) {
    %c0_i32 = arith.constant 0 : i32
    %c0_i32_0 = arith.constant 0 : i32
    %c0_i32_1 = arith.constant 0 : i32
    return %c0_i32, %c0_i32_0 : i32, i32
  }
  func.func @transform_9(%arg0: i32) -> (i32, i32, i32) {
    %c0_i32 = arith.constant 0 : i32
    %c0_i32_0 = arith.constant 0 : i32
    %c0_i32_1 = arith.constant 0 : i32
    return %c0_i32, %arg0, %c0_i32_0 : i32, i32, i32
  }
}

</mosaic_0001>

<sc_bundles>
// kernel: kernel.5.cloned.1.call-start
scs
__scs_entry_jumppad:
0x0: {  	(pc) =	sbr.rel $0x88, $3  }
0x1: {  	(tag) =	ssettag $0x0;
	lr =	simm.s32 $0x1  }
0x2: {  	[smem:$0x3F97] =	sst lr;
	_ =	strace $0xD0000000  }
0x3: {  	_ = 	snop  }
0x4: {  	_ = 	snop  }
0x5: {  	_ = 	snop  }
0x6: {  	_ = 	snop  }
0x7: {  	_ = 	snop  }
__scs_overlays_trampoline_lowered:
0x8: {  	[smem:$0x3FA6] =	sst s0  }
0x9: {  	[smem:$0x3FA7] =	sst s1  }
0xa: {  	[smem:$0x3FA8] =	sst s2  }
0xb: {  	[smem:$0x3FA9] =	sst s3  }
0xc: {  	[smem:$0x3FAA] =	sst s4  }
0xd: {  	[smem:$0x3FAB] =	sst s5  }
0xe: {  	[smem:$0x3FAC] =	sst s6  }
0xf: {  	[smem:$0x3FAD] =	sst s7  }
0x10: {  	[smem:$0x3FAE] =	sst s8  }
0x11: {  	[smem:$0x3FAF] =	sst s9;
	s0 =	simm.s32 @!p0 $0x0  }
0x12: {  	s1 =	sld [smem:$0x3F95];
	s0 =	simm.s32 @p0 $0x1  }
0x13: {  	[smem:$0x3FB0] =	sst s0;
	s0 =	simm.s32 @!p1 $0x0  }
0x14: {  	s2 =	sld [smem:$0x3F94];
	s0 =	simm.s32 @p1 $0x1  }
0x15: {  	[smem:$0x3FB1] =	sst s0;
	s0 =	simm.s32 @!p2 $0x0  }
0x16: {  	s3 =	sld [smem:$0x3FDB];
	s0 =	simm.s32 @p2 $0x1  }
0x17: {  	s4 =	simm.s32 $0x1BF5;
	[smem:$0x3FB3] =	sst s0  }
0x18: {  	s0 =	sld [smem:$0x3F96];
	_ =	swait.ge [sflag:s4], $0x0  }
0x19: {  	s7 =	sld [smem:$0x3F97]  }
0x1a: {  	s8 =	sadd.s32 $0xFFFFE003, lr  }
0x1b: {  	s9 =	sadd.s32 $0xFFFFFEF7, lr;
	s5 =	simm.s32 $0xFFFFFFFF;
	p2 =	slt.u32 s8, $0xFFFFF086  }
0x1c: {  	p1 =	slt.u32 s9, $0xF7A;
	s5 =	simm.s32 @!p2 $0x0  }
0x1d: {  	s5 =	simm.s32 @p1 $0x1;
	p0 =	seq.s32 s7, s2  }
0x1e: {  	s7 =	smul.u32 @!p0 $0xF7A, s2;
	p2 =	seq.s32 @!p0 s5, $0x0  }
0x1f: {  	s9 =	smul.u32 $0xF7A, s1;
	s8 =	simm.s32 @!p0 $0x1BF5;
	p2 =	por !p2, p0  }
0x20: {  	[sflag:s8] =	ssyncset.s32 @!p0 $0xFFFFF086;
	s6 =	sadd.s32 @!p0 s3, s7;
	s7 =	simm.s32 @!p0 $0x108  }
0x21: {  	s3 =	sadd.s32 s3, s9;
	s6 =	sadd.s32 @!p0 $0x88, s6;
	s7 =	simm.s32 @p2 $0x1082  }
0x22: {  	[simem:s7], [sflag:s8] =	dma.local @!p0 [hbm:s6], $0xF7A  }
0x23: {  	s9 =	sor.u32 $0xD0000000, s2;
	s6 =	simm.s32 $0x108;
	_ =	swait.ge @!p0 [sflag:s8], $0x0  }
0x24: {  	s3 =	sadd.s32 $0x88, s3;
	s6 =	simm.s32 @!p1 $0x1082;
	[sflag:s4] =	ssyncset.s32 $0xFFFFF086  }
0x25: {  	[simem:s6], [sflag:s4] =	dma.local [hbm:s3], $0xF7A  }
0x26: {  	[smem:$0x3F97] =	sst s1;
	(tag) =	ssettag s2;
	_ =	strace s9  }
0x27: {  	s1 =	sld [smem:$0x3FA7]  }
0x28: {  	s2 =	sld [smem:$0x3FA8]  }
0x29: {  	s4 =	sld [smem:$0x3FAA]  }
0x2a: {  	p0 =	seq.s32 s5, $0x0;
	s5 =	sld [smem:$0x3FAB]  }
0x2b: {  	s6 =	sld [smem:$0x3FAC]  }
0x2c: {  	s7 =	sld [smem:$0x3FAD]  }
0x2d: {  	s3 =	simm.s32 $0x108;
	s8 =	sld [smem:$0x3FAE]  }
0x2e: {  	s3 =	simm.s32 @!p0 $0x1082;
	s9 =	sld [smem:$0x3FAF]  }
0x2f: {  	lr =	sadd.s32 s0, s3;
	s0 =	sld [smem:$0x3FA6]  }
0x30: {  	s3 =	sld [smem:$0x3FA9]  }
0x31: {  	[smem:$0x3FB2] =	sst s10  }
0x32: {  	s10 =	sld [smem:$0x3FB0];
	_ =	sdelay $0x3  }
0x33: {  	p0 =	seq.s32 s10, $0x1;
	s10 =	sld [smem:$0x3FB2];
	_ =	sdelay $0x3  }
0x34: {  	[smem:$0x3FB2] =	sst s10  }
0x35: {  	s10 =	sld [smem:$0x3FB1];
	_ =	sdelay $0x3  }
0x36: {  	p1 =	seq.s32 s10, $0x1;
	s10 =	sld [smem:$0x3FB2];
	_ =	sdelay $0x3  }
0x37: {  	[smem:$0x3FB2] =	sst s10  }
0x38: {  	s10 =	sld [smem:$0x3FB3]  }
0x39: {  	_ = 	snop;
	(pc) =	sbr.ind lr, $3  }
0x3a: {  	_ = 	snop  }
0x3b: {  	_ = 	snop  }
0x3c: {  	p2 =	seq.s32 s10, $0x1;
	s10 =	sld [smem:$0x3FB2]  }
0x3d: {  	_ =	shalt  }
0x3e: {  	_ =	shalt  }
0x3f: {  	_ =	shalt  }
0x40: {  	_ =	shalt  }
0x41: {  	_ =	shalt  }
0x42: {  	_ =	shalt  }
0x43: {  	_ =	shalt  }
0x44: {  	_ =	shalt  }
0x45: {  	_ =	shalt  }
0x46: {  	_ =	shalt  }
0x47: {  	_ =	shalt  }
0x48: {  	_ =	shalt  }
0x49: {  	_ =	shalt  }
0x4a: {  	_ =	shalt  }
0x4b: {  	_ =	shalt  }
0x4c: {  	_ =	shalt  }
0x4d: {  	_ =	shalt  }
0x4e: {  	_ =	shalt  }
0x4f: {  	_ =	shalt  }
0x50: {  	_ =	shalt  }
0x51: {  	_ =	shalt  }
0x52: {  	_ =	shalt  }
0x53: {  	_ =	shalt  }
0x54: {  	_ =	shalt  }
0x55: {  	_ =	shalt  }
0x56: {  	_ =	shalt  }
0x57: {  	_ =	shalt  }
0x58: {  	_ =	shalt  }
0x59: {  	_ =	shalt  }
0x5a: {  	_ =	shalt  }
0x5b: {  	_ =	shalt  }
0x5c: {  	_ =	shalt  }
0x5d: {  	_ =	shalt  }
0x5e: {  	_ =	shalt  }
0x5f: {  	_ =	shalt  }
0x60: {  	_ =	shalt  }
0x61: {  	_ =	shalt  }
0x62: {  	_ =	shalt  }
0x63: {  	_ =	shalt  }
0x64: {  	_ =	shalt  }
0x65: {  	_ =	shalt  }
0x66: {  	_ =	shalt  }
0x67: {  	_ =	shalt  }
0x68: {  	_ =	shalt  }
0x69: {  	_ =	shalt  }
0x6a: {  	_ =	shalt  }
0x6b: {  	_ =	shalt  }
0x6c: {  	_ =	shalt  }
0x6d: {  	_ =	shalt  }
0x6e: {  	_ =	shalt  }
0x6f: {  	_ =	shalt  }
0x70: {  	_ =	shalt  }
0x71: {  	_ =	shalt  }
0x72: {  	_ =	shalt  }
0x73: {  	_ =	shalt  }
0x74: {  	_ =	shalt  }
0x75: {  	_ =	shalt  }
0x76: {  	_ =	shalt  }
0x77: {  	_ =	shalt  }
0x78: {  	_ =	shalt  }
0x79: {  	_ =	shalt  }
0x7a: {  	_ =	shalt  }
0x7b: {  	_ =	shalt  }
0x7c: {  	_ =	shalt  }
0x7d: {  	_ =	shalt  }
0x7e: {  	_ =	shalt  }
0x7f: {  	_ =	shalt  }
0x80: {  	_ =	shalt  }
0x81: {  	_ =	shalt  }
0x82: {  	_ =	shalt  }
0x83: {  	_ =	shalt  }
0x84: {  	_ =	shalt  }
0x85: {  	_ =	shalt  }
0x86: {  	_ =	shalt  }
0x87: {  	_ =	shalt  }
.Lfunc_end0:
.L_simem_size_0:
called_computation_lowered:
.L_overlay_start_0:
0x88: {  	s2 =	sld [smem:$0x3FD9]  }
0x89: {  	s3 =	sld [smem:$0x3FFE];
	_ =	sdelay $0x1  }
0x8a: {  	s1 =	srdreg.scid  }
0x8b: {  	s0 =	sand.u32 $0x1, s1  }
0x8c: {  	s17 =	sshll.u32 s0, $0xA;
	s2 =	sadd.s32 s3, s2  }
0x8d: {  	s2 =	sadd.s32 s2, s17  }
0x8e: {  	[smem:$0x3FBE] =	sst s2  }
0x8f: {  	_ = 	snop  }
0x90: {  	s2 =	sld [smem:$0x3FD0];
	(tm) =	ssettm $0x1  }
0x91: {  	s18 =	sld [smem:$0x3FFB];
	_ =	sdelay $0x3  }
0x92: {  	_ =	strace s18  }
0x93: {  	s3 =	sld [smem:$0x3FFC];
	_ =	sdelay $0x3  }
0x94: {  	_ =	strace s3  }
0x95: {  	s3 =	sld [smem:$0x3FFD];
	_ =	sdelay $0x3  }
0x96: {  	_ =	strace s3  }
0x97: {  	_ =	strace $0x8FFFFFFF  }
0x98: {  	s19 =	sld [smem:$0x3FDB];
	_ =	sdelay $0x1  }
0x99: {  	s4 =	simm.s32 $_scs_section_size  }
0x9a: {  	s5 =	simm.s32 $_size__tile_overlayer_lowered;
	s6 =	simm.s32 $_tile_overlayer_lowered  }
0x9b: {  	s22 =	simm.s32 $0x1BFF;
	s21 =	sshll.u32 s6, $0x1;
	s3 =	sadd.s32 s4, s19  }
0x9c: {  	s7 =	simm.s32 $0x0;
	s20 =	sshll.u32 s5, $0x1;
	s5 =	sadd.s32 s21, s3  }
0x9d: {  	[timem:s7], [sflag:s22] =	dma.local [hbm:s5], s20  }
0x9e: {  	_ =	swait.ge [sflag:s22], s20  }
0x9f: {  	s4 =	ssub.s32 $0x0, s20;
	[sflag:s22] =	ssyncset.done $0x0  }
0xa0: {  	[sflag:s22] =	ssyncadd.s32 s4;
	_ =	sdelay $0x1  }
0xa1: {  	s23 =	simm.s32 $0x1B8B  }
0xa2: {  	_ =	swait.ge [sflag:s23], $0x1  }
0xa3: {  	[sflag:s23] =	ssyncset.done $0x0  }
0xa4: {  	s25 =	simm.s32 $0x1B8E;
	s24 =	sld [smem:$0x3FFE];
	[sflag:s23] =	ssyncadd.s32 $0xFFFFFFFF  }
0xa5: {  	s26 =	simm.s32 $execute0_lowered;
	[smem:$0x3FD2] =	sst s25  }
0xa6: {  	s5 =	sshll.u32 s26, $0x1;
	_ =	strace $0x80000046;
	[dreg:$0x1] =	wrdreg $0xFFFFFFFF  }
0xa7: {  	s28 =	simm.s32 $_size_execute0_lowered;
	s3 =	sadd.s32 s3, s5;
	[dreg:$0x0] =	wrdreg $0x0  }
0xa8: {  	s5 =	sshll.u32 s28, $0x1;
	[dreg:$0x2] =	wrdreg s3  }
0xa9: {  	[dreg:$0x3] =	wrdreg s5  }
0xaa: {  	[dreg:$0x4] =	wrdreg $0xC0  }
0xab: {  	_ =	task [dreg:s7], $0x5FFFF  }
0xac: {  	[dreg:$0x1] =	wrdreg $0xFFFFFFFF  }
0xad: {  	[dreg:$0x0] =	wrdreg $0x60  }
0xae: {  	[dreg:$0x2] =	wrdreg s24  }
0xaf: {  	[dreg:$0x3] =	wrdreg s2  }
0xb0: {  	[dreg:$0x4] =	wrdreg $0x29000  }
0xb1: {  	[dreg:$0x5] =	wrdreg $0x9  }
0xb2: {  	_ =	task.clear_ibuf [dreg:s7], $0x6FFFF;
	_ =	strace $0x90000046  }
0xb3: {  	s29 =	simm.s32 $0x9;
	_ =	strace $0x80000048  }
0xb4: {  	_ =	swait.ge [sflag:s29], $0x1  }
0xb5: {  	[sflag:s29] =	ssyncadd.s32 $0xFFFFFFFF  }
0xb6: {  	_ =	strace $0x90000048  }
0xb7: {  	_ =	sfence  }
0xb8: {  	s30 =	sld [smem:$0x0];
	_ =	sdelay $0x2  }
0xb9: {  	s31 =	sshll.u32 s1, $0xD;
	s1 =	sshrl.u32 s1, $0x2  }
0xba: {  	s3 =	sand.u32 $0x4000, s31;
	s1 =	sadd.s32 s1, s30  }
0xbb: {  	s0 =	sor.u32 s3, s0;
	s1 =	sshll.u32 s1, $0x11  }
0xbc: {  	s0 =	sor.u32 s1, s0  }
0xbd: {  	s0 =	sadd.s32 $0x8F2B, s0  }
0xbe: {  	[sflag:s0] =	ssyncadd.remote.s32 $0x1  }
0xbf: {  	_ =	sfence.sel $0xFFFF  }
0xc0: {  	[dreg:$0x0] =	wrdreg $0xFFFFFFFF;
	(pc) =	sbr.abs _section_cstart, $3  }
0xc1: {  	[dreg:$0x1] =	wrdreg $0xFFFFFFFF  }
0xc2: {  	_ =	task.clear_ibuf [dreg:s7], $0x2FFFF;
	_ =	strace $0x9FFFFFFF  }
0xc3: {  	(tm) =	ssettm $0x7FFFFFFF  }
tec
execute0_lowered:
.L_overlay_start_1:
0x0: {  	(tag) =	ssettag $0x1  }
0x1: {  	s5 =	rddreg [dreg:$0x0]  }
0x2: {  	s7 =	rddreg [dreg:$0x1]  }
0x3: {  	s1 =	rddreg [dreg:$0x2]  }
0x4: {  	s0 =	rddreg [dreg:$0x3];
	s2 =	simm.s32 $0x0;
	s3 =	srdreg.scid  }
0x5: {  	s14 =	simm.s32 $0x100;
	s15 =	simm.s32 $0x1;
	s6 =	sand.u32 $0x1, s3  }
0x6: {  	s16 =	simm.s32 $0x0;
	s3 =	stileid.u32;
	s8 =	smul.u32 $0x5000, s6  }
0x7: {  	[smem:$0x7FF] =	sst s2;
	s4 =	sadd.s32 $0xC00, s5;
	s9 =	smul.u32 $0xC580, s3  }
0x8: {  	_ =	strace $0x80000047;
	s10 =	ssub.s32 $0x2, s6;
	s6 =	smul.u32 $0xC5800, s6  }
0x9: {  	s30 =	smul.u32 $0x500, s3;
	s31 =	sshll.u32 s3, $0x6;
	s11 =	sshrl.u32 s10, $0x1  }
0xa: {  	s8 =	sadd.s32 s8, s5;
	s5 =	sadd.s32 $0x2D400, s5;
	s6 =	sadd.s32 s9, s6  }
0xb: {  	s10 =	ssub.s32 s10, s11;
	s12 =	sadd.s32 s9, s1;
	s13 =	sshrl.u32 s6, $0x3  }
0xc: {  	s6 =	sor.u32 $0x1C02, s31;
	s11 =	sadd.s32 s30, s8;
	s8 =	smax.u32 s10, $0x1  }
0xd: {  	s7 =	sadd.s32 s7, s13;
	s9 =	sadd.s32 $0x19400, s11;
	s10 =	sadd.s32 $0x23400, s11  }
0xe: {  	s11 =	sshrl.u32 s12, $0x3;
	s12 =	simm.s32 $0x2;
	s13 =	simm.s32 $0x80  }
.LBB2_1:
0xf: {  	[spmem:s11], [sflag:s6] =	dma.local [hbm:s5], $0x18B0  }
0x10: {  	_ =	swait.ge [sflag:s12], $0x18B0  }
0x11: {  	[sflag:s12] =	ssyncset.done $0x0  }
0x12: {  	[sflag:s12] =	ssyncadd.s32 $0xFFFFE750  }
0x13: {  	s17 =	sadd.s32 $0x0, s10;
	[bflag:$0x0] =	sbarrier.arrive $0xFFFF  }
0x14: {  	[tilespmem:s2], [sflag:$0x2] =	stream.linear.gather [hbm4b:s17+s2], $0x80, $0x38;
	[tilespmem:$0xEE80] =	vst v63  }
0x15: {  	_ =	swait.ge [sflag:s12], $0x80  }
0x16: {  	[sflag:s12] =	ssyncset.done $0x0  }
0x17: {  	s31 =	sadd.s32 $0x0, s9;
	[sflag:s12] =	ssyncadd.s32 $0xFFFFFF80  }
0x18: {  	[tilespmem:s13], [sflag:$0x2] =	stream.linear.gather [hbm4b:s31+s2], $0x80, $0x38;
	[tilespmem:$0xEE80] =	vst v63  }
0x19: {  	_ =	swait.ge [sflag:s12], $0x80  }
0x1a: {  	[sflag:s12] =	ssyncset.done $0x0  }
0x1b: {  	[sflag:s12] =	ssyncadd.s32 $0xFFFFFF80  }
0x1c: {  	[tilespmem:s14], [sflag:$0x1] =	stream.indirect.gather [hbm4b:s4+s13], $0x50, s2, s13, $0xb8;
	[tilespmem:$0xEE80] =	vst v63  }
0x1d: {  	_ =	swait.ge [sflag:s15], $0x2800  }
0x1e: {  	[sflag:s15] =	ssyncset.done $0x0  }
0x1f: {  	[sflag:s15] =	ssyncadd.s32 $0xFFFFD800  }
0x20: {  	[spmem:s1] =	stream.indirect.scatter.add.f32 [tilespmem:s14], [sflag:$0x2], $0x50, s13, s13, $0xb8;
	[tilespmem:$0xEE80] =	vst v63  }
0x21: {  	_ =	swait.ge [sflag:s12], $0x2800  }
0x22: {  	s18 =	simm.s32 $0x20;
	s17 =	simm.s32 $0x10;
	[sflag:s12] =	ssyncset.done $0x0  }
.LBB2_2:
0x23: {  	s19 =	sadd.s32 s17, s10  }
0x24: {  	[sflag:s12] =	ssyncadd.s32 $0xFFFFD800;
	s20 =	smov.u32 s18;
	s21 =	sadd.s32 $0x10, s18  }
0x25: {  	[tilespmem:s2], [sflag:$0x2] =	stream.linear.gather [hbm4b:s19+s2], $0x80, $0x38;
	[tilespmem:$0xEE80] =	vst v63  }
0x26: {  	p0 =	sne.s32 s18, $0x4F0;
	_ =	swait.ge [sflag:s12], $0x80  }
0x27: {  	[sflag:s12] =	ssyncset.done $0x0  }
0x28: {  	s18 =	sadd.s32 s17, s9;
	s17 =	smov.u32 s20;
	[sflag:s12] =	ssyncadd.s32 $0xFFFFFF80  }
0x29: {  	[tilespmem:s13], [sflag:$0x2] =	stream.linear.gather [hbm4b:s18+s2], $0x80, $0x38;
	[tilespmem:$0xEE80] =	vst v63  }
0x2a: {  	_ =	swait.ge [sflag:s12], $0x80  }
0x2b: {  	[sflag:s12] =	ssyncset.done $0x0  }
0x2c: {  	[sflag:s12] =	ssyncadd.s32 $0xFFFFFF80  }
0x2d: {  	[tilespmem:s14], [sflag:$0x1] =	stream.indirect.gather [hbm4b:s4+s13], $0x50, s2, s13, $0xb8;
	[tilespmem:$0xEE80] =	vst v63  }
0x2e: {  	_ =	swait.ge [sflag:s15], $0x2800  }
.Ltmp0:
0x2f: {  	[sflag:s15] =	ssyncset.done $0x0;
	(pc) =	sbr.rel @p0 .LBB2_2-.Ltmp0, $4  }
0x30: {  	[sflag:s15] =	ssyncadd.s32 $0xFFFFD800  }
0x31: {  	[spmem:s1] =	stream.indirect.scatter.add.f32 [tilespmem:s14], [sflag:$0x2], $0x50, s13, s13, $0xb8;
	[tilespmem:$0xEE80] =	vst v63  }
0x32: {  	_ =	swait.ge [sflag:s12], $0x2800  }
0x33: {  	s18 =	smov.u32 s21;
	[sflag:s12] =	ssyncset.done $0x0  }
0x34: {  	s18 =	sadd.s32 s17, s10;
	[sflag:s12] =	ssyncadd.s32 $0xFFFFD800  }
0x35: {  	[tilespmem:s2], [sflag:$0x2] =	stream.linear.gather [hbm4b:s18+s2], $0x80, $0x38;
	[tilespmem:$0xEE80] =	vst v63  }
0x36: {  	_ =	swait.ge [sflag:s12], $0x80  }
0x37: {  	[sflag:s12] =	ssyncset.done $0x0  }
0x38: {  	s31 =	sadd.s32 s17, s9;
	[sflag:s12] =	ssyncadd.s32 $0xFFFFFF80  }
0x39: {  	[tilespmem:s13], [sflag:$0x2] =	stream.linear.gather [hbm4b:s31+s2], $0x80, $0x38;
	[tilespmem:$0xEE80] =	vst v63  }
0x3a: {  	_ =	swait.ge [sflag:s12], $0x80  }
0x3b: {  	[sflag:s12] =	ssyncset.done $0x0  }
0x3c: {  	[sflag:s12] =	ssyncadd.s32 $0xFFFFFF80  }
0x3d: {  	[tilespmem:s14], [sflag:$0x1] =	stream.indirect.gather [hbm4b:s4+s13], $0x50, s2, s13, $0xb8;
	[tilespmem:$0xEE80] =	vst v63  }
0x3e: {  	_ =	swait.ge [sflag:s15], $0x2800  }
0x3f: {  	[sflag:s15] =	ssyncset.done $0x0  }
0x40: {  	[sflag:s15] =	ssyncadd.s32 $0xFFFFD800  }
0x41: {  	[spmem:s1] =	stream.indirect.scatter.add.f32 [tilespmem:s14], [sflag:$0x2], $0x50, s13, s13, $0xb8;
	[tilespmem:$0xEE80] =	vst v63  }
0x42: {  	_ =	swait.ge [sflag:s12], $0x2800  }
0x43: {  	s16 =	sadd.s32 $0x1, s16;
	[sflag:s12] =	ssyncset.done $0x0  }
0x44: {  	p0 =	sne.s32 s16, s8;
	[sflag:s12] =	ssyncadd.s32 $0xFFFFD800  }
.Ltmp1:
0x45: {  	[bflag:$0x0] =	sbarrier.arrive $0xFFFF;
	(pc) =	sbr.rel @p0 .LBB2_1-.Ltmp1, $4  }
0x46: {  	[hbm:s7], [sflag:s6] =	dma.local [spmem:s11], $0x18B0  }
0x47: {  	_ =	swait.ge [sflag:s12], $0x18B0  }
0x48: {  	[sflag:s12] =	ssyncset.done $0x0  }
0x49: {  	[sflag:s12] =	ssyncadd.s32 $0xFFFFE750  }
0x4a: {  	_ =	sfence.sel $0x180000  }
0x4b: {  	[bflag:$0x0] =	sbarrier.arrive $0xFFFF  }
0x4c: {  	p0 =	sne.s32 s3, $0x0;
	_ =	strace $0x90000047  }
0x4d: {  	s0 =	sadd.s32 @!p0 $0x100000, s0;
	[bflag:$0x2] =	sbarrier.arrive $0xFFFF  }
0x4e: {  	[sflag:s0] =	ssyncadd.tile.s32 @!p0 $0x1;
	_ =	shalt  }
.Lfunc_end2:
_tile_overlayer_lowered:
.L_overlay_start_2:
0x4f: {  	(tag) =	ssettag $0x2  }
0x50: {  	s0 =	rddreg [dreg:$0x0];
	s2 =	stileid.u32  }
0x51: {  	s1 =	rddreg [dreg:$0x1];
	p0 =	sne.s32 s2, $0x0  }
0x52: {  	s3 =	rddreg [dreg:$0x2];
	[bflag:$0x3] =	sbarrier.arrive $0xFFFF;
	s2 =	simm.s32 @!p0 $0x1C02  }
0x53: {  	[timem:s3], [sflag:s2] =	dma.local @!p0 [hbm:s0], s1  }
0x54: {  	s0 =	simm.s32 @!p0 $0x2  }
0x55: {  	_ =	swait.ge @!p0 [sflag:s0], s1  }
0x56: {  	s1 =	ssub.s32 @!p0 $0x0, s1;
	[sflag:s0] =	ssyncset.done @!p0 $0x0  }
0x57: {  	[sflag:s0] =	ssyncadd.s32 @!p0 s1  }
0x58: {  	[bflag:$0x3] =	sbarrier.arrive $0xFFFF  }
0x59: {  	_ =	shalt  }

</sc_bundles>
